<compile_context>
chip_gen: v7x
topology: tpu7x:2x2x1
jax: 0.10.2.dev20260603
libtpu: 0.0.44.dev20260713+nightly
codegen_flags: <defaults>
</compile_context>

<pallas_src>
import functools

import jax
import jax.numpy as jnp
from jax import lax
from jax.experimental import pallas as pl
from jax.experimental.pallas import tpu as pltpu
from jax.experimental.pallas import tpu_sc as plsc

_NC = 2
_NS = 16
_L = 16
_NW = _NC * _NS


@functools.partial(jax.jit, static_argnums=(1,))
def _sc_bincount_partials(batch, num_bins):
    n = batch.shape[0]
    unroll = 4
    chunk = (-(-n // _NW) + unroll * _L - 1) // (unroll * _L) * (unroll * _L)
    last = n - (_NW - 1) * chunk
    assert 0 < last <= chunk and last % _L == 0
    bins_pad = num_bins + _L
    mesh = plsc.VectorSubcoreMesh(core_axis_name="c", subcore_axis_name="s")

    @functools.partial(
        pl.kernel,
        out_type=jax.ShapeDtypeStruct((_NW * num_bins,), jnp.float32),
        mesh=mesh,
        compiler_params=pltpu.CompilerParams(needs_layout_passes=False),
        scratch_types=[
            pltpu.VMEM((chunk,), jnp.int32),
            pltpu.VMEM((_L, bins_pad), jnp.float32),
            pltpu.VMEM((bins_pad,), jnp.float32),
        ],
    )
    def sc_bincount(batch_hbm, out_hbm, chunk_v, hist2d_v, bins_v):
        wid = lax.axis_index("s") * _NC + lax.axis_index("c")
        base = wid * chunk
        is_last = wid == _NW - 1

        @pl.when(jnp.logical_not(is_last))
        def _():
            pltpu.sync_copy(batch_hbm.at[pl.ds(base, chunk)], chunk_v)

        @pl.when(is_last)
        def _():
            pltpu.sync_copy(
                batch_hbm.at[pl.ds(base, last)], chunk_v.at[pl.ds(0, last)]
            )
            sentinel = jnp.full((_L,), num_bins, jnp.int32)
            for j in range((chunk - last) // _L):
                chunk_v[pl.ds(last + j * _L, _L)] = sentinel

        zeros = jnp.zeros((_L,), jnp.float32)
        for r in range(_L):
            for j in range(bins_pad // _L):
                hist2d_v[r, pl.ds(j * _L, _L)] = zeros
        lanes = lax.iota(jnp.int32, _L)
        ones = jnp.ones((_L,), jnp.float32)

        def body(i, carry):
            for u in range(unroll):
                v = chunk_v[pl.ds((i * unroll + u) * _L, _L)]
                plsc.addupdate_scatter(hist2d_v, [lanes, v], ones)
            return carry

        lax.fori_loop(0, chunk // (_L * unroll), body, 0)
        for j in range(num_bins // _L):
            acc = zeros
            for r in range(_L):
                acc = acc + hist2d_v[r, pl.ds(j * _L, _L)]
            bins_v[pl.ds(j * _L, _L)] = acc
        pltpu.sync_copy(
            bins_v.at[pl.ds(0, num_bins)],
            out_hbm.at[pl.ds(wid * num_bins, num_bins)],
        )

    return sc_bincount(batch)


def _tc_normalize_body(parts_ref, batch_ref, x_ref, o_ref):
    p = parts_ref[...]
    nbins = p.shape[1] // 2
    deg = jnp.sum(p[:, :nbins] + p[:, nbins:], axis=0, keepdims=True)
    inv = jnp.where(deg > 0.0, lax.rsqrt(deg), 0.0)
    inv_col = jnp.reshape(inv, (nbins, 1))
    b = jnp.reshape(batch_ref[...], (1, -1))
    iota = lax.broadcasted_iota(jnp.int32, (nbins, 1), 0)
    onehot_t = (b == iota).astype(jnp.float32)
    scale = lax.dot_general(
        onehot_t, inv_col, (((0,), (0,)), ((), ())),
        preferred_element_type=jnp.float32,
    )
    o_ref[...] = x_ref[...] * scale


def kernel(x, batch, batch_size):
    del batch_size
    n, d = x.shape
    bsz = 64

    parts_flat = _sc_bincount_partials(batch, bsz)
    parts = parts_flat.reshape(_NW * bsz // 128, 128)

    rows = 20480
    nb = -(-n // rows)
    out = pl.pallas_call(
        _tc_normalize_body,
        grid=(nb,),
        in_specs=[
            pl.BlockSpec((_NW * bsz // 128, 128), lambda i: (0, 0)),
            pl.BlockSpec((rows,), lambda i: (i,)),
            pl.BlockSpec((rows, d), lambda i: (i, 0)),
        ],
        out_specs=pl.BlockSpec((rows, d), lambda i: (i, 0)),
        out_shape=jax.ShapeDtypeStruct((n, d), x.dtype),
    )(parts, batch, x)
    return out

# --- scband reference (transcript-rebuilt; emitter-appended) ---
"""Pipeline reference for scband-graph-size-norm-68874095558860 (READ-ONLY COPY).

The authoritative reference and input builder live on the scoring server;
editing this copy changes nothing except your own understanding.
"""

import jax, jax.numpy as jnp
import numpy as np

N = 100000
D = 128
B = 64

def setup_inputs(seed: int = 0) -> dict:
    key = jax.random.key(seed)
    k1, k2 = jax.random.split(key)
    x = jax.random.normal(k1, (N, D), dtype=jnp.float32)
    batch = jnp.sort(jax.random.randint(k2, (N,), 0, B, dtype=jnp.int32))
    return {"x": x, "batch": batch, "batch_size": B}

def reference(x, batch, batch_size):
    # degree(batch, batch_size): number of nodes per graph
    deg = jnp.bincount(batch, length=B).astype(x.dtype)
    inv_sqrt_deg = jnp.where(jnp.arange(B) < batch_size, deg ** -0.5, deg ** -0.5)
    # gather per-node scale and apply
    scale = jnp.take(inv_sqrt_deg, batch, axis=0).reshape(-1, 1)
    return x * scale

if __name__ == "__main__":
    import jax
    _d = setup_inputs()
    print(jax.jit(kernel)(*tuple(_d.values())))

</pallas_src>

<mosaic_0001>
#map = affine_map<(d0, d1) -> (0)>
module attributes {stable_mosaic.version = 14 : i64} {
  func.func @sc_bincount(%arg0: i32, %arg1: i32, %arg2: memref<100000xi32, #tpu.memory_space<hbm>>, %arg3: memref<2048xf32, #tpu.memory_space<hbm>>, %arg4: memref<3136xi32, #tpu.memory_space<vmem>>, %arg5: memref<16x80xf32, #tpu.memory_space<vmem>>, %arg6: memref<80xf32, #tpu.memory_space<vmem>>) attributes {dimension_semantics = [#tpu.dimension_semantics<core_parallel>, #tpu.dimension_semantics<subcore_parallel>], iteration_bounds = array<i64: 2, 16>, scalar_prefetch = 0 : i64, scratch_operands = 3 : i64, tpu.core_type = #tpu.core_type<sc_vector_subcore>, window_params = [{transform_indices = #map}, {transform_indices = #map}]} {
    %mul3A = arith.constant 2 : i32
    %mul3A_0 = arith.muli %arg1, %mul3A : i32
    %add3A = arith.addi %mul3A_0, %arg0 : i32
    %mul3A_1 = arith.constant 3136 : i32
    %mul3A_2 = arith.muli %add3A, %mul3A_1 : i32
    %eq3A = arith.constant 31 : i32
    %eq3A_3 = arith.cmpi eq, %add3A, %eq3A : i32
    %not3A = arith.constant true
    %not3A_4 = arith.xori %eq3A_3, %not3A : i1
    %convert_element_type3A = arith.extui %not3A_4 : i1 to i32
    %cond3A = arith.constant 0 : i32
    %cond3A_5 = arith.cmpi ne, %convert_element_type3A, %cond3A : i32
    scf.if %cond3A_5 {
      "tpu.region"() ({
        %run_scoped3A = tpu.sem_alloc : memref<!tpu.dma_semaphore, #tpu.memory_space<semaphore_mem>>
        %dma_start3A = tpu.memref_slice %arg2[%mul3A_2] : memref<100000xi32, #tpu.memory_space<hbm>> -> memref<3136xi32, #tpu.memory_space<hbm>>
        %dma_start3A_665 = tpu.memref_slice %arg2[%mul3A_2] : memref<100000xi32, #tpu.memory_space<hbm>> -> memref<3136xi32, #tpu.memory_space<hbm>>
        tpu.enqueue_dma source(%dma_start3A_665 : memref<3136xi32, #tpu.memory_space<hbm>>) target(%arg4 : memref<3136xi32, #tpu.memory_space<vmem>>) target_semaphore(%run_scoped3A : memref<!tpu.dma_semaphore, #tpu.memory_space<semaphore_mem>>)
        %dma_wait3A = tpu.memref_slice %arg2[%mul3A_2] : memref<100000xi32, #tpu.memory_space<hbm>> -> memref<3136xi32, #tpu.memory_space<hbm>>
        %dma_wait3A_666 = tpu.memref_slice %arg2[%mul3A_2] : memref<100000xi32, #tpu.memory_space<hbm>> -> memref<3136xi32, #tpu.memory_space<hbm>>
        tpu.wait_dma2 semaphore(%run_scoped3A : memref<!tpu.dma_semaphore, #tpu.memory_space<semaphore_mem>>) src(%dma_wait3A_666 : memref<3136xi32, #tpu.memory_space<hbm>>) dst(%arg4 : memref<3136xi32, #tpu.memory_space<vmem>>)
        tpu.yield
      }) : () -> ()
    } else {
    }
    %convert_element_type3A_6 = arith.extui %eq3A_3 : i1 to i32
    %cond3A_7 = arith.constant 0 : i32
    %cond3A_8 = arith.cmpi ne, %convert_element_type3A_6, %cond3A_7 : i32
    scf.if %cond3A_8 {
      "tpu.region"() ({
        %run_scoped3A = tpu.sem_alloc : memref<!tpu.dma_semaphore, #tpu.memory_space<semaphore_mem>>
        %dma_start3A = arith.constant 0 : i32
        %dma_start3A_711 = tpu.memref_slice %arg4[%dma_start3A] : memref<3136xi32, #tpu.memory_space<vmem>> -> memref<2784xi32, #tpu.memory_space<vmem>>
        %dma_start3A_712 = tpu.memref_slice %arg2[%mul3A_2] : memref<100000xi32, #tpu.memory_space<hbm>> -> memref<2784xi32, #tpu.memory_space<hbm>>
        %dma_start3A_713 = arith.constant 0 : i32
        %dma_start3A_714 = tpu.memref_slice %arg4[%dma_start3A_713] : memref<3136xi32, #tpu.memory_space<vmem>> -> memref<2784xi32, #tpu.memory_space<vmem>>
        %dma_start3A_715 = tpu.memref_slice %arg2[%mul3A_2] : memref<100000xi32, #tpu.memory_space<hbm>> -> memref<2784xi32, #tpu.memory_space<hbm>>
        tpu.enqueue_dma source(%dma_start3A_715 : memref<2784xi32, #tpu.memory_space<hbm>>) target(%dma_start3A_714 : memref<2784xi32, #tpu.memory_space<vmem>>) target_semaphore(%run_scoped3A : memref<!tpu.dma_semaphore, #tpu.memory_space<semaphore_mem>>)
        %dma_wait3A = arith.constant 0 : i32
        %dma_wait3A_716 = tpu.memref_slice %arg4[%dma_wait3A] : memref<3136xi32, #tpu.memory_space<vmem>> -> memref<2784xi32, #tpu.memory_space<vmem>>
        %dma_wait3A_717 = tpu.memref_slice %arg2[%mul3A_2] : memref<100000xi32, #tpu.memory_space<hbm>> -> memref<2784xi32, #tpu.memory_space<hbm>>
        %dma_wait3A_718 = arith.constant 0 : i32
        %dma_wait3A_719 = tpu.memref_slice %arg4[%dma_wait3A_718] : memref<3136xi32, #tpu.memory_space<vmem>> -> memref<2784xi32, #tpu.memory_space<vmem>>
        %dma_wait3A_720 = tpu.memref_slice %arg2[%mul3A_2] : memref<100000xi32, #tpu.memory_space<hbm>> -> memref<2784xi32, #tpu.memory_space<hbm>>
        tpu.wait_dma2 semaphore(%run_scoped3A : memref<!tpu.dma_semaphore, #tpu.memory_space<semaphore_mem>>) src(%dma_wait3A_720 : memref<2784xi32, #tpu.memory_space<hbm>>) dst(%dma_wait3A_719 : memref<2784xi32, #tpu.memory_space<vmem>>)
        tpu.yield
      }) : () -> ()
      %broadcast_in_dim3A_665 = arith.constant 64 : i32
      %broadcast_in_dim3A_666 = vector.broadcast %broadcast_in_dim3A_665 : i32 to vector<16xi32>
      %swap3A_667 = arith.constant 2784 : index
      %swap3A_668 = tpu.vector_load %arg4[%swap3A_667] {strides = array<i32>} : memref<3136xi32, #tpu.memory_space<vmem>>, vector<16xi32>,
      tpu.vector_store %arg4[%swap3A_667], %broadcast_in_dim3A_666 {strides = array<i32>} : memref<3136xi32, #tpu.memory_space<vmem>>, vector<16xi32>,
      %swap3A_669 = arith.constant 2800 : index
      %swap3A_670 = tpu.vector_load %arg4[%swap3A_669] {strides = array<i32>} : memref<3136xi32, #tpu.memory_space<vmem>>, vector<16xi32>,
      tpu.vector_store %arg4[%swap3A_669], %broadcast_in_dim3A_666 {strides = array<i32>} : memref<3136xi32, #tpu.memory_space<vmem>>, vector<16xi32>,
      %swap3A_671 = arith.constant 2816 : index
      %swap3A_672 = tpu.vector_load %arg4[%swap3A_671] {strides = array<i32>} : memref<3136xi32, #tpu.memory_space<vmem>>, vector<16xi32>,
      tpu.vector_store %arg4[%swap3A_671], %broadcast_in_dim3A_666 {strides = array<i32>} : memref<3136xi32, #tpu.memory_space<vmem>>, vector<16xi32>,
      %swap3A_673 = arith.constant 2832 : index
      %swap3A_674 = tpu.vector_load %arg4[%swap3A_673] {strides = array<i32>} : memref<3136xi32, #tpu.memory_space<vmem>>, vector<16xi32>,
      tpu.vector_store %arg4[%swap3A_673], %broadcast_in_dim3A_666 {strides = array<i32>} : memref<3136xi32, #tpu.memory_space<vmem>>, vector<16xi32>,
      %swap3A_675 = arith.constant 2848 : index
      %swap3A_676 = tpu.vector_load %arg4[%swap3A_675] {strides = array<i32>} : memref<3136xi32, #tpu.memory_space<vmem>>, vector<16xi32>,
      tpu.vector_store %arg4[%swap3A_675], %broadcast_in_dim3A_666 {strides = array<i32>} : memref<3136xi32, #tpu.memory_space<vmem>>, vector<16xi32>,
      %swap3A_677 = arith.constant 2864 : index
      %swap3A_678 = tpu.vector_load %arg4[%swap3A_677] {strides = array<i32>} : memref<3136xi32, #tpu.memory_space<vmem>>, vector<16xi32>,
      tpu.vector_store %arg4[%swap3A_677], %broadcast_in_dim3A_666 {strides = array<i32>} : memref<3136xi32, #tpu.memory_space<vmem>>, vector<16xi32>,
      %swap3A_679 = arith.constant 2880 : index
      %swap3A_680 = tpu.vector_load %arg4[%swap3A_679] {strides = array<i32>} : memref<3136xi32, #tpu.memory_space<vmem>>, vector<16xi32>,
      tpu.vector_store %arg4[%swap3A_679], %broadcast_in_dim3A_666 {strides = array<i32>} : memref<3136xi32, #tpu.memory_space<vmem>>, vector<16xi32>,
      %swap3A_681 = arith.constant 2896 : index
      %swap3A_682 = tpu.vector_load %arg4[%swap3A_681] {strides = array<i32>} : memref<3136xi32, #tpu.memory_space<vmem>>, vector<16xi32>,
      tpu.vector_store %arg4[%swap3A_681], %broadcast_in_dim3A_666 {strides = array<i32>} : memref<3136xi32, #tpu.memory_space<vmem>>, vector<16xi32>,
      %swap3A_683 = arith.constant 2912 : index
      %swap3A_684 = tpu.vector_load %arg4[%swap3A_683] {strides = array<i32>} : memref<3136xi32, #tpu.memory_space<vmem>>, vector<16xi32>,
      tpu.vector_store %arg4[%swap3A_683], %broadcast_in_dim3A_666 {strides = array<i32>} : memref<3136xi32, #tpu.memory_space<vmem>>, vector<16xi32>,
      %swap3A_685 = arith.constant 2928 : index
      %swap3A_686 = tpu.vector_load %arg4[%swap3A_685] {strides = array<i32>} : memref<3136xi32, #tpu.memory_space<vmem>>, vector<16xi32>,
      tpu.vector_store %arg4[%swap3A_685], %broadcast_in_dim3A_666 {strides = array<i32>} : memref<3136xi32, #tpu.memory_space<vmem>>, vector<16xi32>,
      %swap3A_687 = arith.constant 2944 : index
      %swap3A_688 = tpu.vector_load %arg4[%swap3A_687] {strides = array<i32>} : memref<3136xi32, #tpu.memory_space<vmem>>, vector<16xi32>,
      tpu.vector_store %arg4[%swap3A_687], %broadcast_in_dim3A_666 {strides = array<i32>} : memref<3136xi32, #tpu.memory_space<vmem>>, vector<16xi32>,
      %swap3A_689 = arith.constant 2960 : index
      %swap3A_690 = tpu.vector_load %arg4[%swap3A_689] {strides = array<i32>} : memref<3136xi32, #tpu.memory_space<vmem>>, vector<16xi32>,
      tpu.vector_store %arg4[%swap3A_689], %broadcast_in_dim3A_666 {strides = array<i32>} : memref<3136xi32, #tpu.memory_space<vmem>>, vector<16xi32>,
      %swap3A_691 = arith.constant 2976 : index
      %swap3A_692 = tpu.vector_load %arg4[%swap3A_691] {strides = array<i32>} : memref<3136xi32, #tpu.memory_space<vmem>>, vector<16xi32>,
      tpu.vector_store %arg4[%swap3A_691], %broadcast_in_dim3A_666 {strides = array<i32>} : memref<3136xi32, #tpu.memory_space<vmem>>, vector<16xi32>,
      %swap3A_693 = arith.constant 2992 : index
      %swap3A_694 = tpu.vector_load %arg4[%swap3A_693] {strides = array<i32>} : memref<3136xi32, #tpu.memory_space<vmem>>, vector<16xi32>,
      tpu.vector_store %arg4[%swap3A_693], %broadcast_in_dim3A_666 {strides = array<i32>} : memref<3136xi32, #tpu.memory_space<vmem>>, vector<16xi32>,
      %swap3A_695 = arith.constant 3008 : index
      %swap3A_696 = tpu.vector_load %arg4[%swap3A_695] {strides = array<i32>} : memref<3136xi32, #tpu.memory_space<vmem>>, vector<16xi32>,
      tpu.vector_store %arg4[%swap3A_695], %broadcast_in_dim3A_666 {strides = array<i32>} : memref<3136xi32, #tpu.memory_space<vmem>>, vector<16xi32>,
      %swap3A_697 = arith.constant 3024 : index
      %swap3A_698 = tpu.vector_load %arg4[%swap3A_697] {strides = array<i32>} : memref<3136xi32, #tpu.memory_space<vmem>>, vector<16xi32>,
      tpu.vector_store %arg4[%swap3A_697], %broadcast_in_dim3A_666 {strides = array<i32>} : memref<3136xi32, #tpu.memory_space<vmem>>, vector<16xi32>,
      %swap3A_699 = arith.constant 3040 : index
      %swap3A_700 = tpu.vector_load %arg4[%swap3A_699] {strides = array<i32>} : memref<3136xi32, #tpu.memory_space<vmem>>, vector<16xi32>,
      tpu.vector_store %arg4[%swap3A_699], %broadcast_in_dim3A_666 {strides = array<i32>} : memref<3136xi32, #tpu.memory_space<vmem>>, vector<16xi32>,
      %swap3A_701 = arith.constant 3056 : index
      %swap3A_702 = tpu.vector_load %arg4[%swap3A_701] {strides = array<i32>} : memref<3136xi32, #tpu.memory_space<vmem>>, vector<16xi32>,
      tpu.vector_store %arg4[%swap3A_701], %broadcast_in_dim3A_666 {strides = array<i32>} : memref<3136xi32, #tpu.memory_space<vmem>>, vector<16xi32>,
      %swap3A_703 = arith.constant 3072 : index
      %swap3A_704 = tpu.vector_load %arg4[%swap3A_703] {strides = array<i32>} : memref<3136xi32, #tpu.memory_space<vmem>>, vector<16xi32>,
      tpu.vector_store %arg4[%swap3A_703], %broadcast_in_dim3A_666 {strides = array<i32>} : memref<3136xi32, #tpu.memory_space<vmem>>, vector<16xi32>,
      %swap3A_705 = arith.constant 3088 : index
      %swap3A_706 = tpu.vector_load %arg4[%swap3A_705] {strides = array<i32>} : memref<3136xi32, #tpu.memory_space<vmem>>, vector<16xi32>,
      tpu.vector_store %arg4[%swap3A_705], %broadcast_in_dim3A_666 {strides = array<i32>} : memref<3136xi32, #tpu.memory_space<vmem>>, vector<16xi32>,
      %swap3A_707 = arith.constant 3104 : index
      %swap3A_708 = tpu.vector_load %arg4[%swap3A_707] {strides = array<i32>} : memref<3136xi32, #tpu.memory_space<vmem>>, vector<16xi32>,
      tpu.vector_store %arg4[%swap3A_707], %broadcast_in_dim3A_666 {strides = array<i32>} : memref<3136xi32, #tpu.memory_space<vmem>>, vector<16xi32>,
      %swap3A_709 = arith.constant 3120 : index
      %swap3A_710 = tpu.vector_load %arg4[%swap3A_709] {strides = array<i32>} : memref<3136xi32, #tpu.memory_space<vmem>>, vector<16xi32>,
      tpu.vector_store %arg4[%swap3A_709], %broadcast_in_dim3A_666 {strides = array<i32>} : memref<3136xi32, #tpu.memory_space<vmem>>, vector<16xi32>,
    } else {
    }
    %broadcast_in_dim3A = arith.constant 0.000000e+00 : f32
    %broadcast_in_dim3A_9 = vector.broadcast %broadcast_in_dim3A : f32 to vector<16xf32>
    %swap3A = arith.constant 0 : i32
    %swap3A_10 = arith.index_cast %swap3A : i32 to index
    %swap3A_11 = arith.constant 0 : index
    %swap3A_12 = tpu.vector_load %arg5[%swap3A_10, %swap3A_11] {strides = array<i32>} : memref<16x80xf32, #tpu.memory_space<vmem>>, vector<16xf32>,
    tpu.vector_store %arg5[%swap3A_10, %swap3A_11], %broadcast_in_dim3A_9 {strides = array<i32>} : memref<16x80xf32, #tpu.memory_space<vmem>>, vector<16xf32>,
    %swap3A_13 = arith.constant 0 : i32
    %swap3A_14 = arith.index_cast %swap3A_13 : i32 to index
    %swap3A_15 = arith.constant 16 : index
    %swap3A_16 = tpu.vector_load %arg5[%swap3A_14, %swap3A_15] {strides = array<i32>} : memref<16x80xf32, #tpu.memory_space<vmem>>, vector<16xf32>,
    tpu.vector_store %arg5[%swap3A_14, %swap3A_15], %broadcast_in_dim3A_9 {strides = array<i32>} : memref<16x80xf32, #tpu.memory_space<vmem>>, vector<16xf32>,
    %swap3A_17 = arith.constant 0 : i32
    %swap3A_18 = arith.index_cast %swap3A_17 : i32 to index
    %swap3A_19 = arith.constant 32 : index
    %swap3A_20 = tpu.vector_load %arg5[%swap3A_18, %swap3A_19] {strides = array<i32>} : memref<16x80xf32, #tpu.memory_space<vmem>>, vector<16xf32>,
    tpu.vector_store %arg5[%swap3A_18, %swap3A_19], %broadcast_in_dim3A_9 {strides = array<i32>} : memref<16x80xf32, #tpu.memory_space<vmem>>, vector<16xf32>,
    %swap3A_21 = arith.constant 0 : i32
    %swap3A_22 = arith.index_cast %swap3A_21 : i32 to index
    %swap3A_23 = arith.constant 48 : index
    %swap3A_24 = tpu.vector_load %arg5[%swap3A_22, %swap3A_23] {strides = array<i32>} : memref<16x80xf32, #tpu.memory_space<vmem>>, vector<16xf32>,
    tpu.vector_store %arg5[%swap3A_22, %swap3A_23], %broadcast_in_dim3A_9 {strides = array<i32>} : memref<16x80xf32, #tpu.memory_space<vmem>>, vector<16xf32>,
    %swap3A_25 = arith.constant 0 : i32
    %swap3A_26 = arith.index_cast %swap3A_25 : i32 to index
    %swap3A_27 = arith.constant 64 : index
    %swap3A_28 = tpu.vector_load %arg5[%swap3A_26, %swap3A_27] {strides = array<i32>} : memref<16x80xf32, #tpu.memory_space<vmem>>, vector<16xf32>,
    tpu.vector_store %arg5[%swap3A_26, %swap3A_27], %broadcast_in_dim3A_9 {strides = array<i32>} : memref<16x80xf32, #tpu.memory_space<vmem>>, vector<16xf32>,
    %swap3A_29 = arith.constant 1 : i32
    %swap3A_30 = arith.index_cast %swap3A_29 : i32 to index
    %swap3A_31 = arith.constant 0 : index
    %swap3A_32 = tpu.vector_load %arg5[%swap3A_30, %swap3A_31] {strides = array<i32>} : memref<16x80xf32, #tpu.memory_space<vmem>>, vector<16xf32>,
    tpu.vector_store %arg5[%swap3A_30, %swap3A_31], %broadcast_in_dim3A_9 {strides = array<i32>} : memref<16x80xf32, #tpu.memory_space<vmem>>, vector<16xf32>,
    %swap3A_33 = arith.constant 1 : i32
    %swap3A_34 = arith.index_cast %swap3A_33 : i32 to index
    %swap3A_35 = arith.constant 16 : index
    %swap3A_36 = tpu.vector_load %arg5[%swap3A_34, %swap3A_35] {strides = array<i32>} : memref<16x80xf32, #tpu.memory_space<vmem>>, vector<16xf32>,
    tpu.vector_store %arg5[%swap3A_34, %swap3A_35], %broadcast_in_dim3A_9 {strides = array<i32>} : memref<16x80xf32, #tpu.memory_space<vmem>>, vector<16xf32>,
    %swap3A_37 = arith.constant 1 : i32
    %swap3A_38 = arith.index_cast %swap3A_37 : i32 to index
    %swap3A_39 = arith.constant 32 : index
    %swap3A_40 = tpu.vector_load %arg5[%swap3A_38, %swap3A_39] {strides = array<i32>} : memref<16x80xf32, #tpu.memory_space<vmem>>, vector<16xf32>,
    tpu.vector_store %arg5[%swap3A_38, %swap3A_39], %broadcast_in_dim3A_9 {strides = array<i32>} : memref<16x80xf32, #tpu.memory_space<vmem>>, vector<16xf32>,
    %swap3A_41 = arith.constant 1 : i32
    %swap3A_42 = arith.index_cast %swap3A_41 : i32 to index
    %swap3A_43 = arith.constant 48 : index
    %swap3A_44 = tpu.vector_load %arg5[%swap3A_42, %swap3A_43] {strides = array<i32>} : memref<16x80xf32, #tpu.memory_space<vmem>>, vector<16xf32>,
    tpu.vector_store %arg5[%swap3A_42, %swap3A_43], %broadcast_in_dim3A_9 {strides = array<i32>} : memref<16x80xf32, #tpu.memory_space<vmem>>, vector<16xf32>,
    %swap3A_45 = arith.constant 1 : i32
    %swap3A_46 = arith.index_cast %swap3A_45 : i32 to index
    %swap3A_47 = arith.constant 64 : index
    %swap3A_48 = tpu.vector_load %arg5[%swap3A_46, %swap3A_47] {strides = array<i32>} : memref<16x80xf32, #tpu.memory_space<vmem>>, vector<16xf32>,
    tpu.vector_store %arg5[%swap3A_46, %swap3A_47], %broadcast_in_dim3A_9 {strides = array<i32>} : memref<16x80xf32, #tpu.memory_space<vmem>>, vector<16xf32>,
    %swap3A_49 = arith.constant 2 : i32
    %swap3A_50 = arith.index_cast %swap3A_49 : i32 to index
    %swap3A_51 = arith.constant 0 : index
    %swap3A_52 = tpu.vector_load %arg5[%swap3A_50, %swap3A_51] {strides = array<i32>} : memref<16x80xf32, #tpu.memory_space<vmem>>, vector<16xf32>,
    tpu.vector_store %arg5[%swap3A_50, %swap3A_51], %broadcast_in_dim3A_9 {strides = array<i32>} : memref<16x80xf32, #tpu.memory_space<vmem>>, vector<16xf32>,
    %swap3A_53 = arith.constant 2 : i32
    %swap3A_54 = arith.index_cast %swap3A_53 : i32 to index
    %swap3A_55 = arith.constant 16 : index
    %swap3A_56 = tpu.vector_load %arg5[%swap3A_54, %swap3A_55] {strides = array<i32>} : memref<16x80xf32, #tpu.memory_space<vmem>>, vector<16xf32>,
    tpu.vector_store %arg5[%swap3A_54, %swap3A_55], %broadcast_in_dim3A_9 {strides = array<i32>} : memref<16x80xf32, #tpu.memory_space<vmem>>, vector<16xf32>,
    %swap3A_57 = arith.constant 2 : i32
    %swap3A_58 = arith.index_cast %swap3A_57 : i32 to index
    %swap3A_59 = arith.constant 32 : index
    %swap3A_60 = tpu.vector_load %arg5[%swap3A_58, %swap3A_59] {strides = array<i32>} : memref<16x80xf32, #tpu.memory_space<vmem>>, vector<16xf32>,
    tpu.vector_store %arg5[%swap3A_58, %swap3A_59], %broadcast_in_dim3A_9 {strides = array<i32>} : memref<16x80xf32, #tpu.memory_space<vmem>>, vector<16xf32>,
    %swap3A_61 = arith.constant 2 : i32
    %swap3A_62 = arith.index_cast %swap3A_61 : i32 to index
    %swap3A_63 = arith.constant 48 : index
    %swap3A_64 = tpu.vector_load %arg5[%swap3A_62, %swap3A_63] {strides = array<i32>} : memref<16x80xf32, #tpu.memory_space<vmem>>, vector<16xf32>,
    tpu.vector_store %arg5[%swap3A_62, %swap3A_63], %broadcast_in_dim3A_9 {strides = array<i32>} : memref<16x80xf32, #tpu.memory_space<vmem>>, vector<16xf32>,
    %swap3A_65 = arith.constant 2 : i32
    %swap3A_66 = arith.index_cast %swap3A_65 : i32 to index
    %swap3A_67 = arith.constant 64 : index
    %swap3A_68 = tpu.vector_load %arg5[%swap3A_66, %swap3A_67] {strides = array<i32>} : memref<16x80xf32, #tpu.memory_space<vmem>>, vector<16xf32>,
    tpu.vector_store %arg5[%swap3A_66, %swap3A_67], %broadcast_in_dim3A_9 {strides = array<i32>} : memref<16x80xf32, #tpu.memory_space<vmem>>, vector<16xf32>,
    %swap3A_69 = arith.constant 3 : i32
    %swap3A_70 = arith.index_cast %swap3A_69 : i32 to index
    %swap3A_71 = arith.constant 0 : index
    %swap3A_72 = tpu.vector_load %arg5[%swap3A_70, %swap3A_71] {strides = array<i32>} : memref<16x80xf32, #tpu.memory_space<vmem>>, vector<16xf32>,
    tpu.vector_store %arg5[%swap3A_70, %swap3A_71], %broadcast_in_dim3A_9 {strides = array<i32>} : memref<16x80xf32, #tpu.memory_space<vmem>>, vector<16xf32>,
    %swap3A_73 = arith.constant 3 : i32
    %swap3A_74 = arith.index_cast %swap3A_73 : i32 to index
    %swap3A_75 = arith.constant 16 : index
    %swap3A_76 = tpu.vector_load %arg5[%swap3A_74, %swap3A_75] {strides = array<i32>} : memref<16x80xf32, #tpu.memory_space<vmem>>, vector<16xf32>,
    tpu.vector_store %arg5[%swap3A_74, %swap3A_75], %broadcast_in_dim3A_9 {strides = array<i32>} : memref<16x80xf32, #tpu.memory_space<vmem>>, vector<16xf32>,
    %swap3A_77 = arith.constant 3 : i32
    %swap3A_78 = arith.index_cast %swap3A_77 : i32 to index
    %swap3A_79 = arith.constant 32 : index
    %swap3A_80 = tpu.vector_load %arg5[%swap3A_78, %swap3A_79] {strides = array<i32>} : memref<16x80xf32, #tpu.memory_space<vmem>>, vector<16xf32>,
    tpu.vector_store %arg5[%swap3A_78, %swap3A_79], %broadcast_in_dim3A_9 {strides = array<i32>} : memref<16x80xf32, #tpu.memory_space<vmem>>, vector<16xf32>,
    %swap3A_81 = arith.constant 3 : i32
    %swap3A_82 = arith.index_cast %swap3A_81 : i32 to index
    %swap3A_83 = arith.constant 48 : index
    %swap3A_84 = tpu.vector_load %arg5[%swap3A_82, %swap3A_83] {strides = array<i32>} : memref<16x80xf32, #tpu.memory_space<vmem>>, vector<16xf32>,
    tpu.vector_store %arg5[%swap3A_82, %swap3A_83], %broadcast_in_dim3A_9 {strides = array<i32>} : memref<16x80xf32, #tpu.memory_space<vmem>>, vector<16xf32>,
    %swap3A_85 = arith.constant 3 : i32
    %swap3A_86 = arith.index_cast %swap3A_85 : i32 to index
    %swap3A_87 = arith.constant 64 : index
    %swap3A_88 = tpu.vector_load %arg5[%swap3A_86, %swap3A_87] {strides = array<i32>} : memref<16x80xf32, #tpu.memory_space<vmem>>, vector<16xf32>,
    tpu.vector_store %arg5[%swap3A_86, %swap3A_87], %broadcast_in_dim3A_9 {strides = array<i32>} : memref<16x80xf32, #tpu.memory_space<vmem>>, vector<16xf32>,
    %swap3A_89 = arith.constant 4 : i32
    %swap3A_90 = arith.index_cast %swap3A_89 : i32 to index
    %swap3A_91 = arith.constant 0 : index
    %swap3A_92 = tpu.vector_load %arg5[%swap3A_90, %swap3A_91] {strides = array<i32>} : memref<16x80xf32, #tpu.memory_space<vmem>>, vector<16xf32>,
    tpu.vector_store %arg5[%swap3A_90, %swap3A_91], %broadcast_in_dim3A_9 {strides = array<i32>} : memref<16x80xf32, #tpu.memory_space<vmem>>, vector<16xf32>,
    %swap3A_93 = arith.constant 4 : i32
    %swap3A_94 = arith.index_cast %swap3A_93 : i32 to index
    %swap3A_95 = arith.constant 16 : index
    %swap3A_96 = tpu.vector_load %arg5[%swap3A_94, %swap3A_95] {strides = array<i32>} : memref<16x80xf32, #tpu.memory_space<vmem>>, vector<16xf32>,
    tpu.vector_store %arg5[%swap3A_94, %swap3A_95], %broadcast_in_dim3A_9 {strides = array<i32>} : memref<16x80xf32, #tpu.memory_space<vmem>>, vector<16xf32>,
    %swap3A_97 = arith.constant 4 : i32
    %swap3A_98 = arith.index_cast %swap3A_97 : i32 to index
    %swap3A_99 = arith.constant 32 : index
    %swap3A_100 = tpu.vector_load %arg5[%swap3A_98, %swap3A_99] {strides = array<i32>} : memref<16x80xf32, #tpu.memory_space<vmem>>, vector<16xf32>,
    tpu.vector_store %arg5[%swap3A_98, %swap3A_99], %broadcast_in_dim3A_9 {strides = array<i32>} : memref<16x80xf32, #tpu.memory_space<vmem>>, vector<16xf32>,
    %swap3A_101 = arith.constant 4 : i32
    %swap3A_102 = arith.index_cast %swap3A_101 : i32 to index
    %swap3A_103 = arith.constant 48 : index
    %swap3A_104 = tpu.vector_load %arg5[%swap3A_102, %swap3A_103] {strides = array<i32>} : memref<16x80xf32, #tpu.memory_space<vmem>>, vector<16xf32>,
    tpu.vector_store %arg5[%swap3A_102, %swap3A_103], %broadcast_in_dim3A_9 {strides = array<i32>} : memref<16x80xf32, #tpu.memory_space<vmem>>, vector<16xf32>,
    %swap3A_105 = arith.constant 4 : i32
    %swap3A_106 = arith.index_cast %swap3A_105 : i32 to index
    %swap3A_107 = arith.constant 64 : index
    %swap3A_108 = tpu.vector_load %arg5[%swap3A_106, %swap3A_107] {strides = array<i32>} : memref<16x80xf32, #tpu.memory_space<vmem>>, vector<16xf32>,
    tpu.vector_store %arg5[%swap3A_106, %swap3A_107], %broadcast_in_dim3A_9 {strides = array<i32>} : memref<16x80xf32, #tpu.memory_space<vmem>>, vector<16xf32>,
    %swap3A_109 = arith.constant 5 : i32
    %swap3A_110 = arith.index_cast %swap3A_109 : i32 to index
    %swap3A_111 = arith.constant 0 : index
    %swap3A_112 = tpu.vector_load %arg5[%swap3A_110, %swap3A_111] {strides = array<i32>} : memref<16x80xf32, #tpu.memory_space<vmem>>, vector<16xf32>,
    tpu.vector_store %arg5[%swap3A_110, %swap3A_111], %broadcast_in_dim3A_9 {strides = array<i32>} : memref<16x80xf32, #tpu.memory_space<vmem>>, vector<16xf32>,
    %swap3A_113 = arith.constant 5 : i32
    %swap3A_114 = arith.index_cast %swap3A_113 : i32 to index
    %swap3A_115 = arith.constant 16 : index
    %swap3A_116 = tpu.vector_load %arg5[%swap3A_114, %swap3A_115] {strides = array<i32>} : memref<16x80xf32, #tpu.memory_space<vmem>>, vector<16xf32>,
    tpu.vector_store %arg5[%swap3A_114, %swap3A_115], %broadcast_in_dim3A_9 {strides = array<i32>} : memref<16x80xf32, #tpu.memory_space<vmem>>, vector<16xf32>,
    %swap3A_117 = arith.constant 5 : i32
    %swap3A_118 = arith.index_cast %swap3A_117 : i32 to index
    %swap3A_119 = arith.constant 32 : index
    %swap3A_120 = tpu.vector_load %arg5[%swap3A_118, %swap3A_119] {strides = array<i32>} : memref<16x80xf32, #tpu.memory_space<vmem>>, vector<16xf32>,
    tpu.vector_store %arg5[%swap3A_118, %swap3A_119], %broadcast_in_dim3A_9 {strides = array<i32>} : memref<16x80xf32, #tpu.memory_space<vmem>>, vector<16xf32>,
    %swap3A_121 = arith.constant 5 : i32
    %swap3A_122 = arith.index_cast %swap3A_121 : i32 to index
    %swap3A_123 = arith.constant 48 : index
    %swap3A_124 = tpu.vector_load %arg5[%swap3A_122, %swap3A_123] {strides = array<i32>} : memref<16x80xf32, #tpu.memory_space<vmem>>, vector<16xf32>,
    tpu.vector_store %arg5[%swap3A_122, %swap3A_123], %broadcast_in_dim3A_9 {strides = array<i32>} : memref<16x80xf32, #tpu.memory_space<vmem>>, vector<16xf32>,
    %swap3A_125 = arith.constant 5 : i32
    %swap3A_126 = arith.index_cast %swap3A_125 : i32 to index
    %swap3A_127 = arith.constant 64 : index
    %swap3A_128 = tpu.vector_load %arg5[%swap3A_126, %swap3A_127] {strides = array<i32>} : memref<16x80xf32, #tpu.memory_space<vmem>>, vector<16xf32>,
    tpu.vector_store %arg5[%swap3A_126, %swap3A_127], %broadcast_in_dim3A_9 {strides = array<i32>} : memref<16x80xf32, #tpu.memory_space<vmem>>, vector<16xf32>,
    %swap3A_129 = arith.constant 6 : i32
    %swap3A_130 = arith.index_cast %swap3A_129 : i32 to index
    %swap3A_131 = arith.constant 0 : index
    %swap3A_132 = tpu.vector_load %arg5[%swap3A_130, %swap3A_131] {strides = array<i32>} : memref<16x80xf32, #tpu.memory_space<vmem>>, vector<16xf32>,
    tpu.vector_store %arg5[%swap3A_130, %swap3A_131], %broadcast_in_dim3A_9 {strides = array<i32>} : memref<16x80xf32, #tpu.memory_space<vmem>>, vector<16xf32>,
    %swap3A_133 = arith.constant 6 : i32
    %swap3A_134 = arith.index_cast %swap3A_133 : i32 to index
    %swap3A_135 = arith.constant 16 : index
    %swap3A_136 = tpu.vector_load %arg5[%swap3A_134, %swap3A_135] {strides = array<i32>} : memref<16x80xf32, #tpu.memory_space<vmem>>, vector<16xf32>,
    tpu.vector_store %arg5[%swap3A_134, %swap3A_135], %broadcast_in_dim3A_9 {strides = array<i32>} : memref<16x80xf32, #tpu.memory_space<vmem>>, vector<16xf32>,
    %swap3A_137 = arith.constant 6 : i32
    %swap3A_138 = arith.index_cast %swap3A_137 : i32 to index
    %swap3A_139 = arith.constant 32 : index
    %swap3A_140 = tpu.vector_load %arg5[%swap3A_138, %swap3A_139] {strides = array<i32>} : memref<16x80xf32, #tpu.memory_space<vmem>>, vector<16xf32>,
    tpu.vector_store %arg5[%swap3A_138, %swap3A_139], %broadcast_in_dim3A_9 {strides = array<i32>} : memref<16x80xf32, #tpu.memory_space<vmem>>, vector<16xf32>,
    %swap3A_141 = arith.constant 6 : i32
    %swap3A_142 = arith.index_cast %swap3A_141 : i32 to index
    %swap3A_143 = arith.constant 48 : index
    %swap3A_144 = tpu.vector_load %arg5[%swap3A_142, %swap3A_143] {strides = array<i32>} : memref<16x80xf32, #tpu.memory_space<vmem>>, vector<16xf32>,
    tpu.vector_store %arg5[%swap3A_142, %swap3A_143], %broadcast_in_dim3A_9 {strides = array<i32>} : memref<16x80xf32, #tpu.memory_space<vmem>>, vector<16xf32>,
    %swap3A_145 = arith.constant 6 : i32
    %swap3A_146 = arith.index_cast %swap3A_145 : i32 to index
    %swap3A_147 = arith.constant 64 : index
    %swap3A_148 = tpu.vector_load %arg5[%swap3A_146, %swap3A_147] {strides = array<i32>} : memref<16x80xf32, #tpu.memory_space<vmem>>, vector<16xf32>,
    tpu.vector_store %arg5[%swap3A_146, %swap3A_147], %broadcast_in_dim3A_9 {strides = array<i32>} : memref<16x80xf32, #tpu.memory_space<vmem>>, vector<16xf32>,
    %swap3A_149 = arith.constant 7 : i32
    %swap3A_150 = arith.index_cast %swap3A_149 : i32 to index
    %swap3A_151 = arith.constant 0 : index
    %swap3A_152 = tpu.vector_load %arg5[%swap3A_150, %swap3A_151] {strides = array<i32>} : memref<16x80xf32, #tpu.memory_space<vmem>>, vector<16xf32>,
    tpu.vector_store %arg5[%swap3A_150, %swap3A_151], %broadcast_in_dim3A_9 {strides = array<i32>} : memref<16x80xf32, #tpu.memory_space<vmem>>, vector<16xf32>,
    %swap3A_153 = arith.constant 7 : i32
    %swap3A_154 = arith.index_cast %swap3A_153 : i32 to index
    %swap3A_155 = arith.constant 16 : index
    %swap3A_156 = tpu.vector_load %arg5[%swap3A_154, %swap3A_155] {strides = array<i32>} : memref<16x80xf32, #tpu.memory_space<vmem>>, vector<16xf32>,
    tpu.vector_store %arg5[%swap3A_154, %swap3A_155], %broadcast_in_dim3A_9 {strides = array<i32>} : memref<16x80xf32, #tpu.memory_space<vmem>>, vector<16xf32>,
    %swap3A_157 = arith.constant 7 : i32
    %swap3A_158 = arith.index_cast %swap3A_157 : i32 to index
    %swap3A_159 = arith.constant 32 : index
    %swap3A_160 = tpu.vector_load %arg5[%swap3A_158, %swap3A_159] {strides = array<i32>} : memref<16x80xf32, #tpu.memory_space<vmem>>, vector<16xf32>,
    tpu.vector_store %arg5[%swap3A_158, %swap3A_159], %broadcast_in_dim3A_9 {strides = array<i32>} : memref<16x80xf32, #tpu.memory_space<vmem>>, vector<16xf32>,
    %swap3A_161 = arith.constant 7 : i32
    %swap3A_162 = arith.index_cast %swap3A_161 : i32 to index
    %swap3A_163 = arith.constant 48 : index
    %swap3A_164 = tpu.vector_load %arg5[%swap3A_162, %swap3A_163] {strides = array<i32>} : memref<16x80xf32, #tpu.memory_space<vmem>>, vector<16xf32>,
    tpu.vector_store %arg5[%swap3A_162, %swap3A_163], %broadcast_in_dim3A_9 {strides = array<i32>} : memref<16x80xf32, #tpu.memory_space<vmem>>, vector<16xf32>,
    %swap3A_165 = arith.constant 7 : i32
    %swap3A_166 = arith.index_cast %swap3A_165 : i32 to index
    %swap3A_167 = arith.constant 64 : index
    %swap3A_168 = tpu.vector_load %arg5[%swap3A_166, %swap3A_167] {strides = array<i32>} : memref<16x80xf32, #tpu.memory_space<vmem>>, vector<16xf32>,
    tpu.vector_store %arg5[%swap3A_166, %swap3A_167], %broadcast_in_dim3A_9 {strides = array<i32>} : memref<16x80xf32, #tpu.memory_space<vmem>>, vector<16xf32>,
    %swap3A_169 = arith.constant 8 : i32
    %swap3A_170 = arith.index_cast %swap3A_169 : i32 to index
    %swap3A_171 = arith.constant 0 : index
    %swap3A_172 = tpu.vector_load %arg5[%swap3A_170, %swap3A_171] {strides = array<i32>} : memref<16x80xf32, #tpu.memory_space<vmem>>, vector<16xf32>,
    tpu.vector_store %arg5[%swap3A_170, %swap3A_171], %broadcast_in_dim3A_9 {strides = array<i32>} : memref<16x80xf32, #tpu.memory_space<vmem>>, vector<16xf32>,
    %swap3A_173 = arith.constant 8 : i32
    %swap3A_174 = arith.index_cast %swap3A_173 : i32 to index
    %swap3A_175 = arith.constant 16 : index
    %swap3A_176 = tpu.vector_load %arg5[%swap3A_174, %swap3A_175] {strides = array<i32>} : memref<16x80xf32, #tpu.memory_space<vmem>>, vector<16xf32>,
    tpu.vector_store %arg5[%swap3A_174, %swap3A_175], %broadcast_in_dim3A_9 {strides = array<i32>} : memref<16x80xf32, #tpu.memory_space<vmem>>, vector<16xf32>,
    %swap3A_177 = arith.constant 8 : i32
    %swap3A_178 = arith.index_cast %swap3A_177 : i32 to index
    %swap3A_179 = arith.constant 32 : index
    %swap3A_180 = tpu.vector_load %arg5[%swap3A_178, %swap3A_179] {strides = array<i32>} : memref<16x80xf32, #tpu.memory_space<vmem>>, vector<16xf32>,
    tpu.vector_store %arg5[%swap3A_178, %swap3A_179], %broadcast_in_dim3A_9 {strides = array<i32>} : memref<16x80xf32, #tpu.memory_space<vmem>>, vector<16xf32>,
    %swap3A_181 = arith.constant 8 : i32
    %swap3A_182 = arith.index_cast %swap3A_181 : i32 to index
    %swap3A_183 = arith.constant 48 : index
    %swap3A_184 = tpu.vector_load %arg5[%swap3A_182, %swap3A_183] {strides = array<i32>} : memref<16x80xf32, #tpu.memory_space<vmem>>, vector<16xf32>,
    tpu.vector_store %arg5[%swap3A_182, %swap3A_183], %broadcast_in_dim3A_9 {strides = array<i32>} : memref<16x80xf32, #tpu.memory_space<vmem>>, vector<16xf32>,
    %swap3A_185 = arith.constant 8 : i32
    %swap3A_186 = arith.index_cast %swap3A_185 : i32 to index
    %swap3A_187 = arith.constant 64 : index
    %swap3A_188 = tpu.vector_load %arg5[%swap3A_186, %swap3A_187] {strides = array<i32>} : memref<16x80xf32, #tpu.memory_space<vmem>>, vector<16xf32>,
    tpu.vector_store %arg5[%swap3A_186, %swap3A_187], %broadcast_in_dim3A_9 {strides = array<i32>} : memref<16x80xf32, #tpu.memory_space<vmem>>, vector<16xf32>,
    %swap3A_189 = arith.constant 9 : i32
    %swap3A_190 = arith.index_cast %swap3A_189 : i32 to index
    %swap3A_191 = arith.constant 0 : index
    %swap3A_192 = tpu.vector_load %arg5[%swap3A_190, %swap3A_191] {strides = array<i32>} : memref<16x80xf32, #tpu.memory_space<vmem>>, vector<16xf32>,
    tpu.vector_store %arg5[%swap3A_190, %swap3A_191], %broadcast_in_dim3A_9 {strides = array<i32>} : memref<16x80xf32, #tpu.memory_space<vmem>>, vector<16xf32>,
    %swap3A_193 = arith.constant 9 : i32
    %swap3A_194 = arith.index_cast %swap3A_193 : i32 to index
    %swap3A_195 = arith.constant 16 : index
    %swap3A_196 = tpu.vector_load %arg5[%swap3A_194, %swap3A_195] {strides = array<i32>} : memref<16x80xf32, #tpu.memory_space<vmem>>, vector<16xf32>,
    tpu.vector_store %arg5[%swap3A_194, %swap3A_195], %broadcast_in_dim3A_9 {strides = array<i32>} : memref<16x80xf32, #tpu.memory_space<vmem>>, vector<16xf32>,
    %swap3A_197 = arith.constant 9 : i32
    %swap3A_198 = arith.index_cast %swap3A_197 : i32 to index
    %swap3A_199 = arith.constant 32 : index
    %swap3A_200 = tpu.vector_load %arg5[%swap3A_198, %swap3A_199] {strides = array<i32>} : memref<16x80xf32, #tpu.memory_space<vmem>>, vector<16xf32>,
    tpu.vector_store %arg5[%swap3A_198, %swap3A_199], %broadcast_in_dim3A_9 {strides = array<i32>} : memref<16x80xf32, #tpu.memory_space<vmem>>, vector<16xf32>,
    %swap3A_201 = arith.constant 9 : i32
    %swap3A_202 = arith.index_cast %swap3A_201 : i32 to index
    %swap3A_203 = arith.constant 48 : index
    %swap3A_204 = tpu.vector_load %arg5[%swap3A_202, %swap3A_203] {strides = array<i32>} : memref<16x80xf32, #tpu.memory_space<vmem>>, vector<16xf32>,
    tpu.vector_store %arg5[%swap3A_202, %swap3A_203], %broadcast_in_dim3A_9 {strides = array<i32>} : memref<16x80xf32, #tpu.memory_space<vmem>>, vector<16xf32>,
    %swap3A_205 = arith.constant 9 : i32
    %swap3A_206 = arith.index_cast %swap3A_205 : i32 to index
    %swap3A_207 = arith.constant 64 : index
    %swap3A_208 = tpu.vector_load %arg5[%swap3A_206, %swap3A_207] {strides = array<i32>} : memref<16x80xf32, #tpu.memory_space<vmem>>, vector<16xf32>,
    tpu.vector_store %arg5[%swap3A_206, %swap3A_207], %broadcast_in_dim3A_9 {strides = array<i32>} : memref<16x80xf32, #tpu.memory_space<vmem>>, vector<16xf32>,
    %swap3A_209 = arith.constant 10 : i32
    %swap3A_210 = arith.index_cast %swap3A_209 : i32 to index
    %swap3A_211 = arith.constant 0 : index
    %swap3A_212 = tpu.vector_load %arg5[%swap3A_210, %swap3A_211] {strides = array<i32>} : memref<16x80xf32, #tpu.memory_space<vmem>>, vector<16xf32>,
    tpu.vector_store %arg5[%swap3A_210, %swap3A_211], %broadcast_in_dim3A_9 {strides = array<i32>} : memref<16x80xf32, #tpu.memory_space<vmem>>, vector<16xf32>,
    %swap3A_213 = arith.constant 10 : i32
    %swap3A_214 = arith.index_cast %swap3A_213 : i32 to index
    %swap3A_215 = arith.constant 16 : index
    %swap3A_216 = tpu.vector_load %arg5[%swap3A_214, %swap3A_215] {strides = array<i32>} : memref<16x80xf32, #tpu.memory_space<vmem>>, vector<16xf32>,
    tpu.vector_store %arg5[%swap3A_214, %swap3A_215], %broadcast_in_dim3A_9 {strides = array<i32>} : memref<16x80xf32, #tpu.memory_space<vmem>>, vector<16xf32>,
    %swap3A_217 = arith.constant 10 : i32
    %swap3A_218 = arith.index_cast %swap3A_217 : i32 to index
    %swap3A_219 = arith.constant 32 : index
    %swap3A_220 = tpu.vector_load %arg5[%swap3A_218, %swap3A_219] {strides = array<i32>} : memref<16x80xf32, #tpu.memory_space<vmem>>, vector<16xf32>,
    tpu.vector_store %arg5[%swap3A_218, %swap3A_219], %broadcast_in_dim3A_9 {strides = array<i32>} : memref<16x80xf32, #tpu.memory_space<vmem>>, vector<16xf32>,
    %swap3A_221 = arith.constant 10 : i32
    %swap3A_222 = arith.index_cast %swap3A_221 : i32 to index
    %swap3A_223 = arith.constant 48 : index
    %swap3A_224 = tpu.vector_load %arg5[%swap3A_222, %swap3A_223] {strides = array<i32>} : memref<16x80xf32, #tpu.memory_space<vmem>>, vector<16xf32>,
    tpu.vector_store %arg5[%swap3A_222, %swap3A_223], %broadcast_in_dim3A_9 {strides = array<i32>} : memref<16x80xf32, #tpu.memory_space<vmem>>, vector<16xf32>,
    %swap3A_225 = arith.constant 10 : i32
    %swap3A_226 = arith.index_cast %swap3A_225 : i32 to index
    %swap3A_227 = arith.constant 64 : index
    %swap3A_228 = tpu.vector_load %arg5[%swap3A_226, %swap3A_227] {strides = array<i32>} : memref<16x80xf32, #tpu.memory_space<vmem>>, vector<16xf32>,
    tpu.vector_store %arg5[%swap3A_226, %swap3A_227], %broadcast_in_dim3A_9 {strides = array<i32>} : memref<16x80xf32, #tpu.memory_space<vmem>>, vector<16xf32>,
    %swap3A_229 = arith.constant 11 : i32
    %swap3A_230 = arith.index_cast %swap3A_229 : i32 to index
    %swap3A_231 = arith.constant 0 : index
    %swap3A_232 = tpu.vector_load %arg5[%swap3A_230, %swap3A_231] {strides = array<i32>} : memref<16x80xf32, #tpu.memory_space<vmem>>, vector<16xf32>,
    tpu.vector_store %arg5[%swap3A_230, %swap3A_231], %broadcast_in_dim3A_9 {strides = array<i32>} : memref<16x80xf32, #tpu.memory_space<vmem>>, vector<16xf32>,
    %swap3A_233 = arith.constant 11 : i32
    %swap3A_234 = arith.index_cast %swap3A_233 : i32 to index
    %swap3A_235 = arith.constant 16 : index
    %swap3A_236 = tpu.vector_load %arg5[%swap3A_234, %swap3A_235] {strides = array<i32>} : memref<16x80xf32, #tpu.memory_space<vmem>>, vector<16xf32>,
    tpu.vector_store %arg5[%swap3A_234, %swap3A_235], %broadcast_in_dim3A_9 {strides = array<i32>} : memref<16x80xf32, #tpu.memory_space<vmem>>, vector<16xf32>,
    %swap3A_237 = arith.constant 11 : i32
    %swap3A_238 = arith.index_cast %swap3A_237 : i32 to index
    %swap3A_239 = arith.constant 32 : index
    %swap3A_240 = tpu.vector_load %arg5[%swap3A_238, %swap3A_239] {strides = array<i32>} : memref<16x80xf32, #tpu.memory_space<vmem>>, vector<16xf32>,
    tpu.vector_store %arg5[%swap3A_238, %swap3A_239], %broadcast_in_dim3A_9 {strides = array<i32>} : memref<16x80xf32, #tpu.memory_space<vmem>>, vector<16xf32>,
    %swap3A_241 = arith.constant 11 : i32
    %swap3A_242 = arith.index_cast %swap3A_241 : i32 to index
    %swap3A_243 = arith.constant 48 : index
    %swap3A_244 = tpu.vector_load %arg5[%swap3A_242, %swap3A_243] {strides = array<i32>} : memref<16x80xf32, #tpu.memory_space<vmem>>, vector<16xf32>,
    tpu.vector_store %arg5[%swap3A_242, %swap3A_243], %broadcast_in_dim3A_9 {strides = array<i32>} : memref<16x80xf32, #tpu.memory_space<vmem>>, vector<16xf32>,
    %swap3A_245 = arith.constant 11 : i32
    %swap3A_246 = arith.index_cast %swap3A_245 : i32 to index
    %swap3A_247 = arith.constant 64 : index
    %swap3A_248 = tpu.vector_load %arg5[%swap3A_246, %swap3A_247] {strides = array<i32>} : memref<16x80xf32, #tpu.memory_space<vmem>>, vector<16xf32>,
    tpu.vector_store %arg5[%swap3A_246, %swap3A_247], %broadcast_in_dim3A_9 {strides = array<i32>} : memref<16x80xf32, #tpu.memory_space<vmem>>, vector<16xf32>,
    %swap3A_249 = arith.constant 12 : i32
    %swap3A_250 = arith.index_cast %swap3A_249 : i32 to index
    %swap3A_251 = arith.constant 0 : index
    %swap3A_252 = tpu.vector_load %arg5[%swap3A_250, %swap3A_251] {strides = array<i32>} : memref<16x80xf32, #tpu.memory_space<vmem>>, vector<16xf32>,
    tpu.vector_store %arg5[%swap3A_250, %swap3A_251], %broadcast_in_dim3A_9 {strides = array<i32>} : memref<16x80xf32, #tpu.memory_space<vmem>>, vector<16xf32>,
    %swap3A_253 = arith.constant 12 : i32
    %swap3A_254 = arith.index_cast %swap3A_253 : i32 to index
    %swap3A_255 = arith.constant 16 : index
    %swap3A_256 = tpu.vector_load %arg5[%swap3A_254, %swap3A_255] {strides = array<i32>} : memref<16x80xf32, #tpu.memory_space<vmem>>, vector<16xf32>,
    tpu.vector_store %arg5[%swap3A_254, %swap3A_255], %broadcast_in_dim3A_9 {strides = array<i32>} : memref<16x80xf32, #tpu.memory_space<vmem>>, vector<16xf32>,
    %swap3A_257 = arith.constant 12 : i32
    %swap3A_258 = arith.index_cast %swap3A_257 : i32 to index
    %swap3A_259 = arith.constant 32 : index
    %swap3A_260 = tpu.vector_load %arg5[%swap3A_258, %swap3A_259] {strides = array<i32>} : memref<16x80xf32, #tpu.memory_space<vmem>>, vector<16xf32>,
    tpu.vector_store %arg5[%swap3A_258, %swap3A_259], %broadcast_in_dim3A_9 {strides = array<i32>} : memref<16x80xf32, #tpu.memory_space<vmem>>, vector<16xf32>,
    %swap3A_261 = arith.constant 12 : i32
    %swap3A_262 = arith.index_cast %swap3A_261 : i32 to index
    %swap3A_263 = arith.constant 48 : index
    %swap3A_264 = tpu.vector_load %arg5[%swap3A_262, %swap3A_263] {strides = array<i32>} : memref<16x80xf32, #tpu.memory_space<vmem>>, vector<16xf32>,
    tpu.vector_store %arg5[%swap3A_262, %swap3A_263], %broadcast_in_dim3A_9 {strides = array<i32>} : memref<16x80xf32, #tpu.memory_space<vmem>>, vector<16xf32>,
    %swap3A_265 = arith.constant 12 : i32
    %swap3A_266 = arith.index_cast %swap3A_265 : i32 to index
    %swap3A_267 = arith.constant 64 : index
    %swap3A_268 = tpu.vector_load %arg5[%swap3A_266, %swap3A_267] {strides = array<i32>} : memref<16x80xf32, #tpu.memory_space<vmem>>, vector<16xf32>,
    tpu.vector_store %arg5[%swap3A_266, %swap3A_267], %broadcast_in_dim3A_9 {strides = array<i32>} : memref<16x80xf32, #tpu.memory_space<vmem>>, vector<16xf32>,
    %swap3A_269 = arith.constant 13 : i32
    %swap3A_270 = arith.index_cast %swap3A_269 : i32 to index
    %swap3A_271 = arith.constant 0 : index
    %swap3A_272 = tpu.vector_load %arg5[%swap3A_270, %swap3A_271] {strides = array<i32>} : memref<16x80xf32, #tpu.memory_space<vmem>>, vector<16xf32>,
    tpu.vector_store %arg5[%swap3A_270, %swap3A_271], %broadcast_in_dim3A_9 {strides = array<i32>} : memref<16x80xf32, #tpu.memory_space<vmem>>, vector<16xf32>,
    %swap3A_273 = arith.constant 13 : i32
    %swap3A_274 = arith.index_cast %swap3A_273 : i32 to index
    %swap3A_275 = arith.constant 16 : index
    %swap3A_276 = tpu.vector_load %arg5[%swap3A_274, %swap3A_275] {strides = array<i32>} : memref<16x80xf32, #tpu.memory_space<vmem>>, vector<16xf32>,
    tpu.vector_store %arg5[%swap3A_274, %swap3A_275], %broadcast_in_dim3A_9 {strides = array<i32>} : memref<16x80xf32, #tpu.memory_space<vmem>>, vector<16xf32>,
    %swap3A_277 = arith.constant 13 : i32
    %swap3A_278 = arith.index_cast %swap3A_277 : i32 to index
    %swap3A_279 = arith.constant 32 : index
    %swap3A_280 = tpu.vector_load %arg5[%swap3A_278, %swap3A_279] {strides = array<i32>} : memref<16x80xf32, #tpu.memory_space<vmem>>, vector<16xf32>,
    tpu.vector_store %arg5[%swap3A_278, %swap3A_279], %broadcast_in_dim3A_9 {strides = array<i32>} : memref<16x80xf32, #tpu.memory_space<vmem>>, vector<16xf32>,
    %swap3A_281 = arith.constant 13 : i32
    %swap3A_282 = arith.index_cast %swap3A_281 : i32 to index
    %swap3A_283 = arith.constant 48 : index
    %swap3A_284 = tpu.vector_load %arg5[%swap3A_282, %swap3A_283] {strides = array<i32>} : memref<16x80xf32, #tpu.memory_space<vmem>>, vector<16xf32>,
    tpu.vector_store %arg5[%swap3A_282, %swap3A_283], %broadcast_in_dim3A_9 {strides = array<i32>} : memref<16x80xf32, #tpu.memory_space<vmem>>, vector<16xf32>,
    %swap3A_285 = arith.constant 13 : i32
    %swap3A_286 = arith.index_cast %swap3A_285 : i32 to index
    %swap3A_287 = arith.constant 64 : index
    %swap3A_288 = tpu.vector_load %arg5[%swap3A_286, %swap3A_287] {strides = array<i32>} : memref<16x80xf32, #tpu.memory_space<vmem>>, vector<16xf32>,
    tpu.vector_store %arg5[%swap3A_286, %swap3A_287], %broadcast_in_dim3A_9 {strides = array<i32>} : memref<16x80xf32, #tpu.memory_space<vmem>>, vector<16xf32>,
    %swap3A_289 = arith.constant 14 : i32
    %swap3A_290 = arith.index_cast %swap3A_289 : i32 to index
    %swap3A_291 = arith.constant 0 : index
    %swap3A_292 = tpu.vector_load %arg5[%swap3A_290, %swap3A_291] {strides = array<i32>} : memref<16x80xf32, #tpu.memory_space<vmem>>, vector<16xf32>,
    tpu.vector_store %arg5[%swap3A_290, %swap3A_291], %broadcast_in_dim3A_9 {strides = array<i32>} : memref<16x80xf32, #tpu.memory_space<vmem>>, vector<16xf32>,
    %swap3A_293 = arith.constant 14 : i32
    %swap3A_294 = arith.index_cast %swap3A_293 : i32 to index
    %swap3A_295 = arith.constant 16 : index
    %swap3A_296 = tpu.vector_load %arg5[%swap3A_294, %swap3A_295] {strides = array<i32>} : memref<16x80xf32, #tpu.memory_space<vmem>>, vector<16xf32>,
    tpu.vector_store %arg5[%swap3A_294, %swap3A_295], %broadcast_in_dim3A_9 {strides = array<i32>} : memref<16x80xf32, #tpu.memory_space<vmem>>, vector<16xf32>,
    %swap3A_297 = arith.constant 14 : i32
    %swap3A_298 = arith.index_cast %swap3A_297 : i32 to index
    %swap3A_299 = arith.constant 32 : index
    %swap3A_300 = tpu.vector_load %arg5[%swap3A_298, %swap3A_299] {strides = array<i32>} : memref<16x80xf32, #tpu.memory_space<vmem>>, vector<16xf32>,
    tpu.vector_store %arg5[%swap3A_298, %swap3A_299], %broadcast_in_dim3A_9 {strides = array<i32>} : memref<16x80xf32, #tpu.memory_space<vmem>>, vector<16xf32>,
    %swap3A_301 = arith.constant 14 : i32
    %swap3A_302 = arith.index_cast %swap3A_301 : i32 to index
    %swap3A_303 = arith.constant 48 : index
    %swap3A_304 = tpu.vector_load %arg5[%swap3A_302, %swap3A_303] {strides = array<i32>} : memref<16x80xf32, #tpu.memory_space<vmem>>, vector<16xf32>,
    tpu.vector_store %arg5[%swap3A_302, %swap3A_303], %broadcast_in_dim3A_9 {strides = array<i32>} : memref<16x80xf32, #tpu.memory_space<vmem>>, vector<16xf32>,
    %swap3A_305 = arith.constant 14 : i32
    %swap3A_306 = arith.index_cast %swap3A_305 : i32 to index
    %swap3A_307 = arith.constant 64 : index
    %swap3A_308 = tpu.vector_load %arg5[%swap3A_306, %swap3A_307] {strides = array<i32>} : memref<16x80xf32, #tpu.memory_space<vmem>>, vector<16xf32>,
    tpu.vector_store %arg5[%swap3A_306, %swap3A_307], %broadcast_in_dim3A_9 {strides = array<i32>} : memref<16x80xf32, #tpu.memory_space<vmem>>, vector<16xf32>,
    %swap3A_309 = arith.constant 15 : i32
    %swap3A_310 = arith.index_cast %swap3A_309 : i32 to index
    %swap3A_311 = arith.constant 0 : index
    %swap3A_312 = tpu.vector_load %arg5[%swap3A_310, %swap3A_311] {strides = array<i32>} : memref<16x80xf32, #tpu.memory_space<vmem>>, vector<16xf32>,
    tpu.vector_store %arg5[%swap3A_310, %swap3A_311], %broadcast_in_dim3A_9 {strides = array<i32>} : memref<16x80xf32, #tpu.memory_space<vmem>>, vector<16xf32>,
    %swap3A_313 = arith.constant 15 : i32
    %swap3A_314 = arith.index_cast %swap3A_313 : i32 to index
    %swap3A_315 = arith.constant 16 : index
    %swap3A_316 = tpu.vector_load %arg5[%swap3A_314, %swap3A_315] {strides = array<i32>} : memref<16x80xf32, #tpu.memory_space<vmem>>, vector<16xf32>,
    tpu.vector_store %arg5[%swap3A_314, %swap3A_315], %broadcast_in_dim3A_9 {strides = array<i32>} : memref<16x80xf32, #tpu.memory_space<vmem>>, vector<16xf32>,
    %swap3A_317 = arith.constant 15 : i32
    %swap3A_318 = arith.index_cast %swap3A_317 : i32 to index
    %swap3A_319 = arith.constant 32 : index
    %swap3A_320 = tpu.vector_load %arg5[%swap3A_318, %swap3A_319] {strides = array<i32>} : memref<16x80xf32, #tpu.memory_space<vmem>>, vector<16xf32>,
    tpu.vector_store %arg5[%swap3A_318, %swap3A_319], %broadcast_in_dim3A_9 {strides = array<i32>} : memref<16x80xf32, #tpu.memory_space<vmem>>, vector<16xf32>,
    %swap3A_321 = arith.constant 15 : i32
    %swap3A_322 = arith.index_cast %swap3A_321 : i32 to index
    %swap3A_323 = arith.constant 48 : index
    %swap3A_324 = tpu.vector_load %arg5[%swap3A_322, %swap3A_323] {strides = array<i32>} : memref<16x80xf32, #tpu.memory_space<vmem>>, vector<16xf32>,
    tpu.vector_store %arg5[%swap3A_322, %swap3A_323], %broadcast_in_dim3A_9 {strides = array<i32>} : memref<16x80xf32, #tpu.memory_space<vmem>>, vector<16xf32>,
    %swap3A_325 = arith.constant 15 : i32
    %swap3A_326 = arith.index_cast %swap3A_325 : i32 to index
    %swap3A_327 = arith.constant 64 : index
    %swap3A_328 = tpu.vector_load %arg5[%swap3A_326, %swap3A_327] {strides = array<i32>} : memref<16x80xf32, #tpu.memory_space<vmem>>, vector<16xf32>,
    tpu.vector_store %arg5[%swap3A_326, %swap3A_327], %broadcast_in_dim3A_9 {strides = array<i32>} : memref<16x80xf32, #tpu.memory_space<vmem>>, vector<16xf32>,
    %iota3A = tpu.iota {dimensions = array<i32: 0>} : vector<16xi32>
    %broadcast_in_dim3A_329 = arith.constant 1.000000e+00 : f32
    %broadcast_in_dim3A_330 = vector.broadcast %broadcast_in_dim3A_329 : f32 to vector<16xf32>
    %scan3A = arith.constant 0 : i32
    %scan3A_331 = arith.constant 0 : i32
    %scan3A_332 = arith.constant 49 : i32
    %scan3A_333 = arith.addi %scan3A_331, %scan3A_332 : i32
    %scan3A_334 = arith.constant 1 : i32
    scf.for %scan3A_665 = %scan3A_331 to %scan3A_333 step %scan3A_334  : i32 {
      %mul3A_666 = arith.constant 4 : i32
      %mul3A_667 = arith.muli %scan3A_665, %mul3A_666 : i32
      %add3A_668 = arith.constant 0 : i32
      %add3A_669 = arith.addi %mul3A_667, %add3A_668 : i32
      %mul3A_670 = arith.constant 16 : i32
      %mul3A_671 = arith.muli %add3A_669, %mul3A_670 : i32
      %get3A_672 = arith.index_cast %mul3A_671 : i32 to index
      %get3A_673 = tpu.vector_load %arg4[%get3A_672] {strides = array<i32>} : memref<3136xi32, #tpu.memory_space<vmem>>, vector<16xi32>,
      tpu.vector_store_idx %arg5[%iota3A, %get3A_673], %broadcast_in_dim3A_330 {add = true} : memref<16x80xf32, #tpu.memory_space<vmem>>[vector<16xi32>, vector<16xi32>], vector<16xf32>,
      %mul3A_674 = arith.constant 4 : i32
      %mul3A_675 = arith.muli %scan3A_665, %mul3A_674 : i32
      %add3A_676 = arith.constant 1 : i32
      %add3A_677 = arith.addi %mul3A_675, %add3A_676 : i32
      %mul3A_678 = arith.constant 16 : i32
      %mul3A_679 = arith.muli %add3A_677, %mul3A_678 : i32
      %get3A_680 = arith.index_cast %mul3A_679 : i32 to index
      %get3A_681 = tpu.vector_load %arg4[%get3A_680] {strides = array<i32>} : memref<3136xi32, #tpu.memory_space<vmem>>, vector<16xi32>,
      tpu.vector_store_idx %arg5[%iota3A, %get3A_681], %broadcast_in_dim3A_330 {add = true} : memref<16x80xf32, #tpu.memory_space<vmem>>[vector<16xi32>, vector<16xi32>], vector<16xf32>,
      %mul3A_682 = arith.constant 4 : i32
      %mul3A_683 = arith.muli %scan3A_665, %mul3A_682 : i32
      %add3A_684 = arith.constant 2 : i32
      %add3A_685 = arith.addi %mul3A_683, %add3A_684 : i32
      %mul3A_686 = arith.constant 16 : i32
      %mul3A_687 = arith.muli %add3A_685, %mul3A_686 : i32
      %get3A_688 = arith.index_cast %mul3A_687 : i32 to index
      %get3A_689 = tpu.vector_load %arg4[%get3A_688] {strides = array<i32>} : memref<3136xi32, #tpu.memory_space<vmem>>, vector<16xi32>,
      tpu.vector_store_idx %arg5[%iota3A, %get3A_689], %broadcast_in_dim3A_330 {add = true} : memref<16x80xf32, #tpu.memory_space<vmem>>[vector<16xi32>, vector<16xi32>], vector<16xf32>,
      %mul3A_690 = arith.constant 4 : i32
      %mul3A_691 = arith.muli %scan3A_665, %mul3A_690 : i32
      %add3A_692 = arith.constant 3 : i32
      %add3A_693 = arith.addi %mul3A_691, %add3A_692 : i32
      %mul3A_694 = arith.constant 16 : i32
      %mul3A_695 = arith.muli %add3A_693, %mul3A_694 : i32
      %get3A_696 = arith.index_cast %mul3A_695 : i32 to index
      %get3A_697 = tpu.vector_load %arg4[%get3A_696] {strides = array<i32>} : memref<3136xi32, #tpu.memory_space<vmem>>, vector<16xi32>,
      tpu.vector_store_idx %arg5[%iota3A, %get3A_697], %broadcast_in_dim3A_330 {add = true} : memref<16x80xf32, #tpu.memory_space<vmem>>[vector<16xi32>, vector<16xi32>], vector<16xf32>,
    }
    %scan3A_335 = arith.constant 49 : i32
    %get3A = arith.constant 0 : i32
    %get3A_336 = arith.index_cast %get3A : i32 to index
    %get3A_337 = arith.constant 0 : index
    %get3A_338 = tpu.vector_load %arg5[%get3A_336, %get3A_337] {strides = array<i32>} : memref<16x80xf32, #tpu.memory_space<vmem>>, vector<16xf32>,
    %add3A_339 = arith.addf %broadcast_in_dim3A_9, %get3A_338 : vector<16xf32>
    %get3A_340 = arith.constant 1 : i32
    %get3A_341 = arith.index_cast %get3A_340 : i32 to index
    %get3A_342 = arith.constant 0 : index
    %get3A_343 = tpu.vector_load %arg5[%get3A_341, %get3A_342] {strides = array<i32>} : memref<16x80xf32, #tpu.memory_space<vmem>>, vector<16xf32>,
    %add3A_344 = arith.addf %add3A_339, %get3A_343 : vector<16xf32>
    %get3A_345 = arith.constant 2 : i32
    %get3A_346 = arith.index_cast %get3A_345 : i32 to index
    %get3A_347 = arith.constant 0 : index
    %get3A_348 = tpu.vector_load %arg5[%get3A_346, %get3A_347] {strides = array<i32>} : memref<16x80xf32, #tpu.memory_space<vmem>>, vector<16xf32>,
    %add3A_349 = arith.addf %add3A_344, %get3A_348 : vector<16xf32>
    %get3A_350 = arith.constant 3 : i32
    %get3A_351 = arith.index_cast %get3A_350 : i32 to index
    %get3A_352 = arith.constant 0 : index
    %get3A_353 = tpu.vector_load %arg5[%get3A_351, %get3A_352] {strides = array<i32>} : memref<16x80xf32, #tpu.memory_space<vmem>>, vector<16xf32>,
    %add3A_354 = arith.addf %add3A_349, %get3A_353 : vector<16xf32>
    %get3A_355 = arith.constant 4 : i32
    %get3A_356 = arith.index_cast %get3A_355 : i32 to index
    %get3A_357 = arith.constant 0 : index
    %get3A_358 = tpu.vector_load %arg5[%get3A_356, %get3A_357] {strides = array<i32>} : memref<16x80xf32, #tpu.memory_space<vmem>>, vector<16xf32>,
    %add3A_359 = arith.addf %add3A_354, %get3A_358 : vector<16xf32>
    %get3A_360 = arith.constant 5 : i32
    %get3A_361 = arith.index_cast %get3A_360 : i32 to index
    %get3A_362 = arith.constant 0 : index
    %get3A_363 = tpu.vector_load %arg5[%get3A_361, %get3A_362] {strides = array<i32>} : memref<16x80xf32, #tpu.memory_space<vmem>>, vector<16xf32>,
    %add3A_364 = arith.addf %add3A_359, %get3A_363 : vector<16xf32>
    %get3A_365 = arith.constant 6 : i32
    %get3A_366 = arith.index_cast %get3A_365 : i32 to index
    %get3A_367 = arith.constant 0 : index
    %get3A_368 = tpu.vector_load %arg5[%get3A_366, %get3A_367] {strides = array<i32>} : memref<16x80xf32, #tpu.memory_space<vmem>>, vector<16xf32>,
    %add3A_369 = arith.addf %add3A_364, %get3A_368 : vector<16xf32>
    %get3A_370 = arith.constant 7 : i32
    %get3A_371 = arith.index_cast %get3A_370 : i32 to index
    %get3A_372 = arith.constant 0 : index
    %get3A_373 = tpu.vector_load %arg5[%get3A_371, %get3A_372] {strides = array<i32>} : memref<16x80xf32, #tpu.memory_space<vmem>>, vector<16xf32>,
    %add3A_374 = arith.addf %add3A_369, %get3A_373 : vector<16xf32>
    %get3A_375 = arith.constant 8 : i32
    %get3A_376 = arith.index_cast %get3A_375 : i32 to index
    %get3A_377 = arith.constant 0 : index
    %get3A_378 = tpu.vector_load %arg5[%get3A_376, %get3A_377] {strides = array<i32>} : memref<16x80xf32, #tpu.memory_space<vmem>>, vector<16xf32>,
    %add3A_379 = arith.addf %add3A_374, %get3A_378 : vector<16xf32>
    %get3A_380 = arith.constant 9 : i32
    %get3A_381 = arith.index_cast %get3A_380 : i32 to index
    %get3A_382 = arith.constant 0 : index
    %get3A_383 = tpu.vector_load %arg5[%get3A_381, %get3A_382] {strides = array<i32>} : memref<16x80xf32, #tpu.memory_space<vmem>>, vector<16xf32>,
    %add3A_384 = arith.addf %add3A_379, %get3A_383 : vector<16xf32>
    %get3A_385 = arith.constant 10 : i32
    %get3A_386 = arith.index_cast %get3A_385 : i32 to index
    %get3A_387 = arith.constant 0 : index
    %get3A_388 = tpu.vector_load %arg5[%get3A_386, %get3A_387] {strides = array<i32>} : memref<16x80xf32, #tpu.memory_space<vmem>>, vector<16xf32>,
    %add3A_389 = arith.addf %add3A_384, %get3A_388 : vector<16xf32>
    %get3A_390 = arith.constant 11 : i32
    %get3A_391 = arith.index_cast %get3A_390 : i32 to index
    %get3A_392 = arith.constant 0 : index
    %get3A_393 = tpu.vector_load %arg5[%get3A_391, %get3A_392] {strides = array<i32>} : memref<16x80xf32, #tpu.memory_space<vmem>>, vector<16xf32>,
    %add3A_394 = arith.addf %add3A_389, %get3A_393 : vector<16xf32>
    %get3A_395 = arith.constant 12 : i32
    %get3A_396 = arith.index_cast %get3A_395 : i32 to index
    %get3A_397 = arith.constant 0 : index
    %get3A_398 = tpu.vector_load %arg5[%get3A_396, %get3A_397] {strides = array<i32>} : memref<16x80xf32, #tpu.memory_space<vmem>>, vector<16xf32>,
    %add3A_399 = arith.addf %add3A_394, %get3A_398 : vector<16xf32>
    %get3A_400 = arith.constant 13 : i32
    %get3A_401 = arith.index_cast %get3A_400 : i32 to index
    %get3A_402 = arith.constant 0 : index
    %get3A_403 = tpu.vector_load %arg5[%get3A_401, %get3A_402] {strides = array<i32>} : memref<16x80xf32, #tpu.memory_space<vmem>>, vector<16xf32>,
    %add3A_404 = arith.addf %add3A_399, %get3A_403 : vector<16xf32>
    %get3A_405 = arith.constant 14 : i32
    %get3A_406 = arith.index_cast %get3A_405 : i32 to index
    %get3A_407 = arith.constant 0 : index
    %get3A_408 = tpu.vector_load %arg5[%get3A_406, %get3A_407] {strides = array<i32>} : memref<16x80xf32, #tpu.memory_space<vmem>>, vector<16xf32>,
    %add3A_409 = arith.addf %add3A_404, %get3A_408 : vector<16xf32>
    %get3A_410 = arith.constant 15 : i32
    %get3A_411 = arith.index_cast %get3A_410 : i32 to index
    %get3A_412 = arith.constant 0 : index
    %get3A_413 = tpu.vector_load %arg5[%get3A_411, %get3A_412] {strides = array<i32>} : memref<16x80xf32, #tpu.memory_space<vmem>>, vector<16xf32>,
    %add3A_414 = arith.addf %add3A_409, %get3A_413 : vector<16xf32>
    %swap3A_415 = arith.constant 0 : index
    %swap3A_416 = tpu.vector_load %arg6[%swap3A_415] {strides = array<i32>} : memref<80xf32, #tpu.memory_space<vmem>>, vector<16xf32>,
    tpu.vector_store %arg6[%swap3A_415], %add3A_414 {strides = array<i32>} : memref<80xf32, #tpu.memory_space<vmem>>, vector<16xf32>,
    %get3A_417 = arith.constant 0 : i32
    %get3A_418 = arith.index_cast %get3A_417 : i32 to index
    %get3A_419 = arith.constant 16 : index
    %get3A_420 = tpu.vector_load %arg5[%get3A_418, %get3A_419] {strides = array<i32>} : memref<16x80xf32, #tpu.memory_space<vmem>>, vector<16xf32>,
    %add3A_421 = arith.addf %broadcast_in_dim3A_9, %get3A_420 : vector<16xf32>
    %get3A_422 = arith.constant 1 : i32
    %get3A_423 = arith.index_cast %get3A_422 : i32 to index
    %get3A_424 = arith.constant 16 : index
    %get3A_425 = tpu.vector_load %arg5[%get3A_423, %get3A_424] {strides = array<i32>} : memref<16x80xf32, #tpu.memory_space<vmem>>, vector<16xf32>,
    %add3A_426 = arith.addf %add3A_421, %get3A_425 : vector<16xf32>
    %get3A_427 = arith.constant 2 : i32
    %get3A_428 = arith.index_cast %get3A_427 : i32 to index
    %get3A_429 = arith.constant 16 : index
    %get3A_430 = tpu.vector_load %arg5[%get3A_428, %get3A_429] {strides = array<i32>} : memref<16x80xf32, #tpu.memory_space<vmem>>, vector<16xf32>,
    %add3A_431 = arith.addf %add3A_426, %get3A_430 : vector<16xf32>
    %get3A_432 = arith.constant 3 : i32
    %get3A_433 = arith.index_cast %get3A_432 : i32 to index
    %get3A_434 = arith.constant 16 : index
    %get3A_435 = tpu.vector_load %arg5[%get3A_433, %get3A_434] {strides = array<i32>} : memref<16x80xf32, #tpu.memory_space<vmem>>, vector<16xf32>,
    %add3A_436 = arith.addf %add3A_431, %get3A_435 : vector<16xf32>
    %get3A_437 = arith.constant 4 : i32
    %get3A_438 = arith.index_cast %get3A_437 : i32 to index
    %get3A_439 = arith.constant 16 : index
    %get3A_440 = tpu.vector_load %arg5[%get3A_438, %get3A_439] {strides = array<i32>} : memref<16x80xf32, #tpu.memory_space<vmem>>, vector<16xf32>,
    %add3A_441 = arith.addf %add3A_436, %get3A_440 : vector<16xf32>
    %get3A_442 = arith.constant 5 : i32
    %get3A_443 = arith.index_cast %get3A_442 : i32 to index
    %get3A_444 = arith.constant 16 : index
    %get3A_445 = tpu.vector_load %arg5[%get3A_443, %get3A_444] {strides = array<i32>} : memref<16x80xf32, #tpu.memory_space<vmem>>, vector<16xf32>,
    %add3A_446 = arith.addf %add3A_441, %get3A_445 : vector<16xf32>
    %get3A_447 = arith.constant 6 : i32
    %get3A_448 = arith.index_cast %get3A_447 : i32 to index
    %get3A_449 = arith.constant 16 : index
    %get3A_450 = tpu.vector_load %arg5[%get3A_448, %get3A_449] {strides = array<i32>} : memref<16x80xf32, #tpu.memory_space<vmem>>, vector<16xf32>,
    %add3A_451 = arith.addf %add3A_446, %get3A_450 : vector<16xf32>
    %get3A_452 = arith.constant 7 : i32
    %get3A_453 = arith.index_cast %get3A_452 : i32 to index
    %get3A_454 = arith.constant 16 : index
    %get3A_455 = tpu.vector_load %arg5[%get3A_453, %get3A_454] {strides = array<i32>} : memref<16x80xf32, #tpu.memory_space<vmem>>, vector<16xf32>,
    %add3A_456 = arith.addf %add3A_451, %get3A_455 : vector<16xf32>
    %get3A_457 = arith.constant 8 : i32
    %get3A_458 = arith.index_cast %get3A_457 : i32 to index
    %get3A_459 = arith.constant 16 : index
    %get3A_460 = tpu.vector_load %arg5[%get3A_458, %get3A_459] {strides = array<i32>} : memref<16x80xf32, #tpu.memory_space<vmem>>, vector<16xf32>,
    %add3A_461 = arith.addf %add3A_456, %get3A_460 : vector<16xf32>
    %get3A_462 = arith.constant 9 : i32
    %get3A_463 = arith.index_cast %get3A_462 : i32 to index
    %get3A_464 = arith.constant 16 : index
    %get3A_465 = tpu.vector_load %arg5[%get3A_463, %get3A_464] {strides = array<i32>} : memref<16x80xf32, #tpu.memory_space<vmem>>, vector<16xf32>,
    %add3A_466 = arith.addf %add3A_461, %get3A_465 : vector<16xf32>
    %get3A_467 = arith.constant 10 : i32
    %get3A_468 = arith.index_cast %get3A_467 : i32 to index
    %get3A_469 = arith.constant 16 : index
    %get3A_470 = tpu.vector_load %arg5[%get3A_468, %get3A_469] {strides = array<i32>} : memref<16x80xf32, #tpu.memory_space<vmem>>, vector<16xf32>,
    %add3A_471 = arith.addf %add3A_466, %get3A_470 : vector<16xf32>
    %get3A_472 = arith.constant 11 : i32
    %get3A_473 = arith.index_cast %get3A_472 : i32 to index
    %get3A_474 = arith.constant 16 : index
    %get3A_475 = tpu.vector_load %arg5[%get3A_473, %get3A_474] {strides = array<i32>} : memref<16x80xf32, #tpu.memory_space<vmem>>, vector<16xf32>,
    %add3A_476 = arith.addf %add3A_471, %get3A_475 : vector<16xf32>
    %get3A_477 = arith.constant 12 : i32
    %get3A_478 = arith.index_cast %get3A_477 : i32 to index
    %get3A_479 = arith.constant 16 : index
    %get3A_480 = tpu.vector_load %arg5[%get3A_478, %get3A_479] {strides = array<i32>} : memref<16x80xf32, #tpu.memory_space<vmem>>, vector<16xf32>,
    %add3A_481 = arith.addf %add3A_476, %get3A_480 : vector<16xf32>
    %get3A_482 = arith.constant 13 : i32
    %get3A_483 = arith.index_cast %get3A_482 : i32 to index
    %get3A_484 = arith.constant 16 : index
    %get3A_485 = tpu.vector_load %arg5[%get3A_483, %get3A_484] {strides = array<i32>} : memref<16x80xf32, #tpu.memory_space<vmem>>, vector<16xf32>,
    %add3A_486 = arith.addf %add3A_481, %get3A_485 : vector<16xf32>
    %get3A_487 = arith.constant 14 : i32
    %get3A_488 = arith.index_cast %get3A_487 : i32 to index
    %get3A_489 = arith.constant 16 : index
    %get3A_490 = tpu.vector_load %arg5[%get3A_488, %get3A_489] {strides = array<i32>} : memref<16x80xf32, #tpu.memory_space<vmem>>, vector<16xf32>,
    %add3A_491 = arith.addf %add3A_486, %get3A_490 : vector<16xf32>
    %get3A_492 = arith.constant 15 : i32
    %get3A_493 = arith.index_cast %get3A_492 : i32 to index
    %get3A_494 = arith.constant 16 : index
    %get3A_495 = tpu.vector_load %arg5[%get3A_493, %get3A_494] {strides = array<i32>} : memref<16x80xf32, #tpu.memory_space<vmem>>, vector<16xf32>,
    %add3A_496 = arith.addf %add3A_491, %get3A_495 : vector<16xf32>
    %swap3A_497 = arith.constant 16 : index
    %swap3A_498 = tpu.vector_load %arg6[%swap3A_497] {strides = array<i32>} : memref<80xf32, #tpu.memory_space<vmem>>, vector<16xf32>,
    tpu.vector_store %arg6[%swap3A_497], %add3A_496 {strides = array<i32>} : memref<80xf32, #tpu.memory_space<vmem>>, vector<16xf32>,
    %get3A_499 = arith.constant 0 : i32
    %get3A_500 = arith.index_cast %get3A_499 : i32 to index
    %get3A_501 = arith.constant 32 : index
    %get3A_502 = tpu.vector_load %arg5[%get3A_500, %get3A_501] {strides = array<i32>} : memref<16x80xf32, #tpu.memory_space<vmem>>, vector<16xf32>,
    %add3A_503 = arith.addf %broadcast_in_dim3A_9, %get3A_502 : vector<16xf32>
    %get3A_504 = arith.constant 1 : i32
    %get3A_505 = arith.index_cast %get3A_504 : i32 to index
    %get3A_506 = arith.constant 32 : index
    %get3A_507 = tpu.vector_load %arg5[%get3A_505, %get3A_506] {strides = array<i32>} : memref<16x80xf32, #tpu.memory_space<vmem>>, vector<16xf32>,
    %add3A_508 = arith.addf %add3A_503, %get3A_507 : vector<16xf32>
    %get3A_509 = arith.constant 2 : i32
    %get3A_510 = arith.index_cast %get3A_509 : i32 to index
    %get3A_511 = arith.constant 32 : index
    %get3A_512 = tpu.vector_load %arg5[%get3A_510, %get3A_511] {strides = array<i32>} : memref<16x80xf32, #tpu.memory_space<vmem>>, vector<16xf32>,
    %add3A_513 = arith.addf %add3A_508, %get3A_512 : vector<16xf32>
    %get3A_514 = arith.constant 3 : i32
    %get3A_515 = arith.index_cast %get3A_514 : i32 to index
    %get3A_516 = arith.constant 32 : index
    %get3A_517 = tpu.vector_load %arg5[%get3A_515, %get3A_516] {strides = array<i32>} : memref<16x80xf32, #tpu.memory_space<vmem>>, vector<16xf32>,
    %add3A_518 = arith.addf %add3A_513, %get3A_517 : vector<16xf32>
    %get3A_519 = arith.constant 4 : i32
    %get3A_520 = arith.index_cast %get3A_519 : i32 to index
    %get3A_521 = arith.constant 32 : index
    %get3A_522 = tpu.vector_load %arg5[%get3A_520, %get3A_521] {strides = array<i32>} : memref<16x80xf32, #tpu.memory_space<vmem>>, vector<16xf32>,
    %add3A_523 = arith.addf %add3A_518, %get3A_522 : vector<16xf32>
    %get3A_524 = arith.constant 5 : i32
    %get3A_525 = arith.index_cast %get3A_524 : i32 to index
    %get3A_526 = arith.constant 32 : index
    %get3A_527 = tpu.vector_load %arg5[%get3A_525, %get3A_526] {strides = array<i32>} : memref<16x80xf32, #tpu.memory_space<vmem>>, vector<16xf32>,
    %add3A_528 = arith.addf %add3A_523, %get3A_527 : vector<16xf32>
    %get3A_529 = arith.constant 6 : i32
    %get3A_530 = arith.index_cast %get3A_529 : i32 to index
    %get3A_531 = arith.constant 32 : index
    %get3A_532 = tpu.vector_load %arg5[%get3A_530, %get3A_531] {strides = array<i32>} : memref<16x80xf32, #tpu.memory_space<vmem>>, vector<16xf32>,
    %add3A_533 = arith.addf %add3A_528, %get3A_532 : vector<16xf32>
    %get3A_534 = arith.constant 7 : i32
    %get3A_535 = arith.index_cast %get3A_534 : i32 to index
    %get3A_536 = arith.constant 32 : index
    %get3A_537 = tpu.vector_load %arg5[%get3A_535, %get3A_536] {strides = array<i32>} : memref<16x80xf32, #tpu.memory_space<vmem>>, vector<16xf32>,
    %add3A_538 = arith.addf %add3A_533, %get3A_537 : vector<16xf32>
    %get3A_539 = arith.constant 8 : i32
    %get3A_540 = arith.index_cast %get3A_539 : i32 to index
    %get3A_541 = arith.constant 32 : index
    %get3A_542 = tpu.vector_load %arg5[%get3A_540, %get3A_541] {strides = array<i32>} : memref<16x80xf32, #tpu.memory_space<vmem>>, vector<16xf32>,
    %add3A_543 = arith.addf %add3A_538, %get3A_542 : vector<16xf32>
    %get3A_544 = arith.constant 9 : i32
    %get3A_545 = arith.index_cast %get3A_544 : i32 to index
    %get3A_546 = arith.constant 32 : index
    %get3A_547 = tpu.vector_load %arg5[%get3A_545, %get3A_546] {strides = array<i32>} : memref<16x80xf32, #tpu.memory_space<vmem>>, vector<16xf32>,
    %add3A_548 = arith.addf %add3A_543, %get3A_547 : vector<16xf32>
    %get3A_549 = arith.constant 10 : i32
    %get3A_550 = arith.index_cast %get3A_549 : i32 to index
    %get3A_551 = arith.constant 32 : index
    %get3A_552 = tpu.vector_load %arg5[%get3A_550, %get3A_551] {strides = array<i32>} : memref<16x80xf32, #tpu.memory_space<vmem>>, vector<16xf32>,
    %add3A_553 = arith.addf %add3A_548, %get3A_552 : vector<16xf32>
    %get3A_554 = arith.constant 11 : i32
    %get3A_555 = arith.index_cast %get3A_554 : i32 to index
    %get3A_556 = arith.constant 32 : index
    %get3A_557 = tpu.vector_load %arg5[%get3A_555, %get3A_556] {strides = array<i32>} : memref<16x80xf32, #tpu.memory_space<vmem>>, vector<16xf32>,
    %add3A_558 = arith.addf %add3A_553, %get3A_557 : vector<16xf32>
    %get3A_559 = arith.constant 12 : i32
    %get3A_560 = arith.index_cast %get3A_559 : i32 to index
    %get3A_561 = arith.constant 32 : index
    %get3A_562 = tpu.vector_load %arg5[%get3A_560, %get3A_561] {strides = array<i32>} : memref<16x80xf32, #tpu.memory_space<vmem>>, vector<16xf32>,
    %add3A_563 = arith.addf %add3A_558, %get3A_562 : vector<16xf32>
    %get3A_564 = arith.constant 13 : i32
    %get3A_565 = arith.index_cast %get3A_564 : i32 to index
    %get3A_566 = arith.constant 32 : index
    %get3A_567 = tpu.vector_load %arg5[%get3A_565, %get3A_566] {strides = array<i32>} : memref<16x80xf32, #tpu.memory_space<vmem>>, vector<16xf32>,
    %add3A_568 = arith.addf %add3A_563, %get3A_567 : vector<16xf32>
    %get3A_569 = arith.constant 14 : i32
    %get3A_570 = arith.index_cast %get3A_569 : i32 to index
    %get3A_571 = arith.constant 32 : index
    %get3A_572 = tpu.vector_load %arg5[%get3A_570, %get3A_571] {strides = array<i32>} : memref<16x80xf32, #tpu.memory_space<vmem>>, vector<16xf32>,
    %add3A_573 = arith.addf %add3A_568, %get3A_572 : vector<16xf32>
    %get3A_574 = arith.constant 15 : i32
    %get3A_575 = arith.index_cast %get3A_574 : i32 to index
    %get3A_576 = arith.constant 32 : index
    %get3A_577 = tpu.vector_load %arg5[%get3A_575, %get3A_576] {strides = array<i32>} : memref<16x80xf32, #tpu.memory_space<vmem>>, vector<16xf32>,
    %add3A_578 = arith.addf %add3A_573, %get3A_577 : vector<16xf32>
    %swap3A_579 = arith.constant 32 : index
    %swap3A_580 = tpu.vector_load %arg6[%swap3A_579] {strides = array<i32>} : memref<80xf32, #tpu.memory_space<vmem>>, vector<16xf32>,
    tpu.vector_store %arg6[%swap3A_579], %add3A_578 {strides = array<i32>} : memref<80xf32, #tpu.memory_space<vmem>>, vector<16xf32>,
    %get3A_581 = arith.constant 0 : i32
    %get3A_582 = arith.index_cast %get3A_581 : i32 to index
    %get3A_583 = arith.constant 48 : index
    %get3A_584 = tpu.vector_load %arg5[%get3A_582, %get3A_583] {strides = array<i32>} : memref<16x80xf32, #tpu.memory_space<vmem>>, vector<16xf32>,
    %add3A_585 = arith.addf %broadcast_in_dim3A_9, %get3A_584 : vector<16xf32>
    %get3A_586 = arith.constant 1 : i32
    %get3A_587 = arith.index_cast %get3A_586 : i32 to index
    %get3A_588 = arith.constant 48 : index
    %get3A_589 = tpu.vector_load %arg5[%get3A_587, %get3A_588] {strides = array<i32>} : memref<16x80xf32, #tpu.memory_space<vmem>>, vector<16xf32>,
    %add3A_590 = arith.addf %add3A_585, %get3A_589 : vector<16xf32>
    %get3A_591 = arith.constant 2 : i32
    %get3A_592 = arith.index_cast %get3A_591 : i32 to index
    %get3A_593 = arith.constant 48 : index
    %get3A_594 = tpu.vector_load %arg5[%get3A_592, %get3A_593] {strides = array<i32>} : memref<16x80xf32, #tpu.memory_space<vmem>>, vector<16xf32>,
    %add3A_595 = arith.addf %add3A_590, %get3A_594 : vector<16xf32>
    %get3A_596 = arith.constant 3 : i32
    %get3A_597 = arith.index_cast %get3A_596 : i32 to index
    %get3A_598 = arith.constant 48 : index
    %get3A_599 = tpu.vector_load %arg5[%get3A_597, %get3A_598] {strides = array<i32>} : memref<16x80xf32, #tpu.memory_space<vmem>>, vector<16xf32>,
    %add3A_600 = arith.addf %add3A_595, %get3A_599 : vector<16xf32>
    %get3A_601 = arith.constant 4 : i32
    %get3A_602 = arith.index_cast %get3A_601 : i32 to index
    %get3A_603 = arith.constant 48 : index
    %get3A_604 = tpu.vector_load %arg5[%get3A_602, %get3A_603] {strides = array<i32>} : memref<16x80xf32, #tpu.memory_space<vmem>>, vector<16xf32>,
    %add3A_605 = arith.addf %add3A_600, %get3A_604 : vector<16xf32>
    %get3A_606 = arith.constant 5 : i32
    %get3A_607 = arith.index_cast %get3A_606 : i32 to index
    %get3A_608 = arith.constant 48 : index
    %get3A_609 = tpu.vector_load %arg5[%get3A_607, %get3A_608] {strides = array<i32>} : memref<16x80xf32, #tpu.memory_space<vmem>>, vector<16xf32>,
    %add3A_610 = arith.addf %add3A_605, %get3A_609 : vector<16xf32>
    %get3A_611 = arith.constant 6 : i32
    %get3A_612 = arith.index_cast %get3A_611 : i32 to index
    %get3A_613 = arith.constant 48 : index
    %get3A_614 = tpu.vector_load %arg5[%get3A_612, %get3A_613] {strides = array<i32>} : memref<16x80xf32, #tpu.memory_space<vmem>>, vector<16xf32>,
    %add3A_615 = arith.addf %add3A_610, %get3A_614 : vector<16xf32>
    %get3A_616 = arith.constant 7 : i32
    %get3A_617 = arith.index_cast %get3A_616 : i32 to index
    %get3A_618 = arith.constant 48 : index
    %get3A_619 = tpu.vector_load %arg5[%get3A_617, %get3A_618] {strides = array<i32>} : memref<16x80xf32, #tpu.memory_space<vmem>>, vector<16xf32>,
    %add3A_620 = arith.addf %add3A_615, %get3A_619 : vector<16xf32>
    %get3A_621 = arith.constant 8 : i32
    %get3A_622 = arith.index_cast %get3A_621 : i32 to index
    %get3A_623 = arith.constant 48 : index
    %get3A_624 = tpu.vector_load %arg5[%get3A_622, %get3A_623] {strides = array<i32>} : memref<16x80xf32, #tpu.memory_space<vmem>>, vector<16xf32>,
    %add3A_625 = arith.addf %add3A_620, %get3A_624 : vector<16xf32>
    %get3A_626 = arith.constant 9 : i32
    %get3A_627 = arith.index_cast %get3A_626 : i32 to index
    %get3A_628 = arith.constant 48 : index
    %get3A_629 = tpu.vector_load %arg5[%get3A_627, %get3A_628] {strides = array<i32>} : memref<16x80xf32, #tpu.memory_space<vmem>>, vector<16xf32>,
    %add3A_630 = arith.addf %add3A_625, %get3A_629 : vector<16xf32>
    %get3A_631 = arith.constant 10 : i32
    %get3A_632 = arith.index_cast %get3A_631 : i32 to index
    %get3A_633 = arith.constant 48 : index
    %get3A_634 = tpu.vector_load %arg5[%get3A_632, %get3A_633] {strides = array<i32>} : memref<16x80xf32, #tpu.memory_space<vmem>>, vector<16xf32>,
    %add3A_635 = arith.addf %add3A_630, %get3A_634 : vector<16xf32>
    %get3A_636 = arith.constant 11 : i32
    %get3A_637 = arith.index_cast %get3A_636 : i32 to index
    %get3A_638 = arith.constant 48 : index
    %get3A_639 = tpu.vector_load %arg5[%get3A_637, %get3A_638] {strides = array<i32>} : memref<16x80xf32, #tpu.memory_space<vmem>>, vector<16xf32>,
    %add3A_640 = arith.addf %add3A_635, %get3A_639 : vector<16xf32>
    %get3A_641 = arith.constant 12 : i32
    %get3A_642 = arith.index_cast %get3A_641 : i32 to index
    %get3A_643 = arith.constant 48 : index
    %get3A_644 = tpu.vector_load %arg5[%get3A_642, %get3A_643] {strides = array<i32>} : memref<16x80xf32, #tpu.memory_space<vmem>>, vector<16xf32>,
    %add3A_645 = arith.addf %add3A_640, %get3A_644 : vector<16xf32>
    %get3A_646 = arith.constant 13 : i32
    %get3A_647 = arith.index_cast %get3A_646 : i32 to index
    %get3A_648 = arith.constant 48 : index
    %get3A_649 = tpu.vector_load %arg5[%get3A_647, %get3A_648] {strides = array<i32>} : memref<16x80xf32, #tpu.memory_space<vmem>>, vector<16xf32>,
    %add3A_650 = arith.addf %add3A_645, %get3A_649 : vector<16xf32>
    %get3A_651 = arith.constant 14 : i32
    %get3A_652 = arith.index_cast %get3A_651 : i32 to index
    %get3A_653 = arith.constant 48 : index
    %get3A_654 = tpu.vector_load %arg5[%get3A_652, %get3A_653] {strides = array<i32>} : memref<16x80xf32, #tpu.memory_space<vmem>>, vector<16xf32>,
    %add3A_655 = arith.addf %add3A_650, %get3A_654 : vector<16xf32>
    %get3A_656 = arith.constant 15 : i32
    %get3A_657 = arith.index_cast %get3A_656 : i32 to index
    %get3A_658 = arith.constant 48 : index
    %get3A_659 = tpu.vector_load %arg5[%get3A_657, %get3A_658] {strides = array<i32>} : memref<16x80xf32, #tpu.memory_space<vmem>>, vector<16xf32>,
    %add3A_660 = arith.addf %add3A_655, %get3A_659 : vector<16xf32>
    %swap3A_661 = arith.constant 48 : index
    %swap3A_662 = tpu.vector_load %arg6[%swap3A_661] {strides = array<i32>} : memref<80xf32, #tpu.memory_space<vmem>>, vector<16xf32>,
    tpu.vector_store %arg6[%swap3A_661], %add3A_660 {strides = array<i32>} : memref<80xf32, #tpu.memory_space<vmem>>, vector<16xf32>,
    %mul3A_663 = arith.constant 64 : i32
    %mul3A_664 = arith.muli %add3A, %mul3A_663 : i32
    "tpu.region"() ({
      %run_scoped3A = tpu.sem_alloc : memref<!tpu.dma_semaphore, #tpu.memory_space<semaphore_mem>>
      %dma_start3A = arith.constant 0 : i32
      %dma_start3A_665 = tpu.memref_slice %arg6[%dma_start3A] : memref<80xf32, #tpu.memory_space<vmem>> -> memref<64xf32, #tpu.memory_space<vmem>>
      %dma_start3A_666 = tpu.memref_slice %arg3[%mul3A_664] : memref<2048xf32, #tpu.memory_space<hbm>> -> memref<64xf32, #tpu.memory_space<hbm>>
      %dma_start3A_667 = tpu.memref_slice %arg3[%mul3A_664] : memref<2048xf32, #tpu.memory_space<hbm>> -> memref<64xf32, #tpu.memory_space<hbm>>
      %dma_start3A_668 = arith.constant 0 : i32
      %dma_start3A_669 = tpu.memref_slice %arg6[%dma_start3A_668] : memref<80xf32, #tpu.memory_space<vmem>> -> memref<64xf32, #tpu.memory_space<vmem>>
      tpu.enqueue_dma source(%dma_start3A_669 : memref<64xf32, #tpu.memory_space<vmem>>) target(%dma_start3A_667 : memref<64xf32, #tpu.memory_space<hbm>>) target_semaphore(%run_scoped3A : memref<!tpu.dma_semaphore, #tpu.memory_space<semaphore_mem>>)
      %dma_wait3A = arith.constant 0 : i32
      %dma_wait3A_670 = tpu.memref_slice %arg6[%dma_wait3A] : memref<80xf32, #tpu.memory_space<vmem>> -> memref<64xf32, #tpu.memory_space<vmem>>
      %dma_wait3A_671 = tpu.memref_slice %arg3[%mul3A_664] : memref<2048xf32, #tpu.memory_space<hbm>> -> memref<64xf32, #tpu.memory_space<hbm>>
      %dma_wait3A_672 = tpu.memref_slice %arg3[%mul3A_664] : memref<2048xf32, #tpu.memory_space<hbm>> -> memref<64xf32, #tpu.memory_space<hbm>>
      %dma_wait3A_673 = arith.constant 0 : i32
      %dma_wait3A_674 = tpu.memref_slice %arg6[%dma_wait3A_673] : memref<80xf32, #tpu.memory_space<vmem>> -> memref<64xf32, #tpu.memory_space<vmem>>
      tpu.wait_dma2 semaphore(%run_scoped3A : memref<!tpu.dma_semaphore, #tpu.memory_space<semaphore_mem>>) src(%dma_wait3A_674 : memref<64xf32, #tpu.memory_space<vmem>>) dst(%dma_wait3A_672 : memref<64xf32, #tpu.memory_space<hbm>>)
      tpu.yield
    }) : () -> ()
    return
  }
}

</mosaic_0001>

<sc_bundles>
// kernel: _sc_bincount_partials.3.cloned.1.call-start
scs
__scs_entry_jumppad:
0x0: {  	(pc) =	sbr.rel $0x88, $3  }
0x1: {  	(tag) =	ssettag $0x0;
	lr =	simm.s32 $0x1  }
0x2: {  	[smem:$0x3FA0] =	sst lr;
	_ =	strace $0xD0000000  }
0x3: {  	_ = 	snop  }
0x4: {  	_ = 	snop  }
0x5: {  	_ = 	snop  }
0x6: {  	_ = 	snop  }
0x7: {  	_ = 	snop  }
__scs_overlays_trampoline_lowered:
0x8: {  	[smem:$0x3FAF] =	sst s0  }
0x9: {  	[smem:$0x3FB0] =	sst s1  }
0xa: {  	[smem:$0x3FB1] =	sst s2  }
0xb: {  	[smem:$0x3FB2] =	sst s3  }
0xc: {  	[smem:$0x3FB3] =	sst s4  }
0xd: {  	[smem:$0x3FB4] =	sst s5  }
0xe: {  	[smem:$0x3FB5] =	sst s6  }
0xf: {  	[smem:$0x3FB6] =	sst s7  }
0x10: {  	[smem:$0x3FB7] =	sst s8  }
0x11: {  	[smem:$0x3FB8] =	sst s9;
	s0 =	simm.s32 @!p0 $0x0  }
0x12: {  	s1 =	sld [smem:$0x3F9E];
	s0 =	simm.s32 @p0 $0x1  }
0x13: {  	[smem:$0x3FB9] =	sst s0;
	s0 =	simm.s32 @!p1 $0x0  }
0x14: {  	s2 =	sld [smem:$0x3F9D];
	s0 =	simm.s32 @p1 $0x1  }
0x15: {  	[smem:$0x3FBA] =	sst s0;
	s0 =	simm.s32 @!p2 $0x0  }
0x16: {  	s3 =	sld [smem:$0x3FDB];
	s0 =	simm.s32 @p2 $0x1  }
0x17: {  	s4 =	simm.s32 $0x1BF5;
	[smem:$0x3FBC] =	sst s0  }
0x18: {  	s0 =	sld [smem:$0x3F9F];
	_ =	swait.ge [sflag:s4], $0x0  }
0x19: {  	s7 =	sld [smem:$0x3FA0]  }
0x1a: {  	s8 =	sadd.s32 $0xFFFFE003, lr  }
0x1b: {  	s9 =	sadd.s32 $0xFFFFFEF7, lr;
	s5 =	simm.s32 $0xFFFFFFFF;
	p2 =	slt.u32 s8, $0xFFFFF086  }
0x1c: {  	p1 =	slt.u32 s9, $0xF7A;
	s5 =	simm.s32 @!p2 $0x0  }
0x1d: {  	s5 =	simm.s32 @p1 $0x1;
	p0 =	seq.s32 s7, s2  }
0x1e: {  	s7 =	smul.u32 @!p0 $0xF7A, s2;
	p2 =	seq.s32 @!p0 s5, $0x0  }
0x1f: {  	s9 =	smul.u32 $0xF7A, s1;
	s8 =	simm.s32 @!p0 $0x1BF5;
	p2 =	por !p2, p0  }
0x20: {  	[sflag:s8] =	ssyncset.s32 @!p0 $0xFFFFF086;
	s6 =	sadd.s32 @!p0 s3, s7;
	s7 =	simm.s32 @!p0 $0x108  }
0x21: {  	s3 =	sadd.s32 s3, s9;
	s6 =	sadd.s32 @!p0 $0x88, s6;
	s7 =	simm.s32 @p2 $0x1082  }
0x22: {  	[simem:s7], [sflag:s8] =	dma.local @!p0 [hbm:s6], $0xF7A  }
0x23: {  	s9 =	sor.u32 $0xD0000000, s2;
	s6 =	simm.s32 $0x108;
	_ =	swait.ge @!p0 [sflag:s8], $0x0  }
0x24: {  	s3 =	sadd.s32 $0x88, s3;
	s6 =	simm.s32 @!p1 $0x1082;
	[sflag:s4] =	ssyncset.s32 $0xFFFFF086  }
0x25: {  	[simem:s6], [sflag:s4] =	dma.local [hbm:s3], $0xF7A  }
0x26: {  	[smem:$0x3FA0] =	sst s1;
	(tag) =	ssettag s2;
	_ =	strace s9  }
0x27: {  	s1 =	sld [smem:$0x3FB0]  }
0x28: {  	s2 =	sld [smem:$0x3FB1]  }
0x29: {  	s4 =	sld [smem:$0x3FB3]  }
0x2a: {  	p0 =	seq.s32 s5, $0x0;
	s5 =	sld [smem:$0x3FB4]  }
0x2b: {  	s6 =	sld [smem:$0x3FB5]  }
0x2c: {  	s7 =	sld [smem:$0x3FB6]  }
0x2d: {  	s3 =	simm.s32 $0x108;
	s8 =	sld [smem:$0x3FB7]  }
0x2e: {  	s3 =	simm.s32 @!p0 $0x1082;
	s9 =	sld [smem:$0x3FB8]  }
0x2f: {  	lr =	sadd.s32 s0, s3;
	s0 =	sld [smem:$0x3FAF]  }
0x30: {  	s3 =	sld [smem:$0x3FB2]  }
0x31: {  	[smem:$0x3FBB] =	sst s10  }
0x32: {  	s10 =	sld [smem:$0x3FB9];
	_ =	sdelay $0x3  }
0x33: {  	p0 =	seq.s32 s10, $0x1;
	s10 =	sld [smem:$0x3FBB];
	_ =	sdelay $0x3  }
0x34: {  	[smem:$0x3FBB] =	sst s10  }
0x35: {  	s10 =	sld [smem:$0x3FBA];
	_ =	sdelay $0x3  }
0x36: {  	p1 =	seq.s32 s10, $0x1;
	s10 =	sld [smem:$0x3FBB];
	_ =	sdelay $0x3  }
0x37: {  	[smem:$0x3FBB] =	sst s10  }
0x38: {  	s10 =	sld [smem:$0x3FBC]  }
0x39: {  	_ = 	snop;
	(pc) =	sbr.ind lr, $3  }
0x3a: {  	_ = 	snop  }
0x3b: {  	_ = 	snop  }
0x3c: {  	p2 =	seq.s32 s10, $0x1;
	s10 =	sld [smem:$0x3FBB]  }
0x3d: {  	_ =	shalt  }
0x3e: {  	_ =	shalt  }
0x3f: {  	_ =	shalt  }
0x40: {  	_ =	shalt  }
0x41: {  	_ =	shalt  }
0x42: {  	_ =	shalt  }
0x43: {  	_ =	shalt  }
0x44: {  	_ =	shalt  }
0x45: {  	_ =	shalt  }
0x46: {  	_ =	shalt  }
0x47: {  	_ =	shalt  }
0x48: {  	_ =	shalt  }
0x49: {  	_ =	shalt  }
0x4a: {  	_ =	shalt  }
0x4b: {  	_ =	shalt  }
0x4c: {  	_ =	shalt  }
0x4d: {  	_ =	shalt  }
0x4e: {  	_ =	shalt  }
0x4f: {  	_ =	shalt  }
0x50: {  	_ =	shalt  }
0x51: {  	_ =	shalt  }
0x52: {  	_ =	shalt  }
0x53: {  	_ =	shalt  }
0x54: {  	_ =	shalt  }
0x55: {  	_ =	shalt  }
0x56: {  	_ =	shalt  }
0x57: {  	_ =	shalt  }
0x58: {  	_ =	shalt  }
0x59: {  	_ =	shalt  }
0x5a: {  	_ =	shalt  }
0x5b: {  	_ =	shalt  }
0x5c: {  	_ =	shalt  }
0x5d: {  	_ =	shalt  }
0x5e: {  	_ =	shalt  }
0x5f: {  	_ =	shalt  }
0x60: {  	_ =	shalt  }
0x61: {  	_ =	shalt  }
0x62: {  	_ =	shalt  }
0x63: {  	_ =	shalt  }
0x64: {  	_ =	shalt  }
0x65: {  	_ =	shalt  }
0x66: {  	_ =	shalt  }
0x67: {  	_ =	shalt  }
0x68: {  	_ =	shalt  }
0x69: {  	_ =	shalt  }
0x6a: {  	_ =	shalt  }
0x6b: {  	_ =	shalt  }
0x6c: {  	_ =	shalt  }
0x6d: {  	_ =	shalt  }
0x6e: {  	_ =	shalt  }
0x6f: {  	_ =	shalt  }
0x70: {  	_ =	shalt  }
0x71: {  	_ =	shalt  }
0x72: {  	_ =	shalt  }
0x73: {  	_ =	shalt  }
0x74: {  	_ =	shalt  }
0x75: {  	_ =	shalt  }
0x76: {  	_ =	shalt  }
0x77: {  	_ =	shalt  }
0x78: {  	_ =	shalt  }
0x79: {  	_ =	shalt  }
0x7a: {  	_ =	shalt  }
0x7b: {  	_ =	shalt  }
0x7c: {  	_ =	shalt  }
0x7d: {  	_ =	shalt  }
0x7e: {  	_ =	shalt  }
0x7f: {  	_ =	shalt  }
0x80: {  	_ =	shalt  }
0x81: {  	_ =	shalt  }
0x82: {  	_ =	shalt  }
0x83: {  	_ =	shalt  }
0x84: {  	_ =	shalt  }
0x85: {  	_ =	shalt  }
0x86: {  	_ =	shalt  }
0x87: {  	_ =	shalt  }
.Lfunc_end0:
.L_simem_size_0:
called_computation_lowered:
.L_overlay_start_0:
0x88: {  	s2 =	sld [smem:$0x3FD9]  }
0x89: {  	s3 =	sld [smem:$0x3FFE];
	_ =	sdelay $0x1  }
0x8a: {  	s1 =	srdreg.scid  }
0x8b: {  	s0 =	sand.u32 $0x1, s1  }
0x8c: {  	s18 =	sshll.u32 s0, $0xA;
	s2 =	sadd.s32 s3, s2  }
0x8d: {  	s2 =	sadd.s32 s2, s18  }
0x8e: {  	[smem:$0x3FC7] =	sst s2  }
0x8f: {  	_ = 	snop  }
0x90: {  	s2 =	sld [smem:$0x3FC9]  }
0x91: {  	s19 =	sld [smem:$0x3FD0];
	(tm) =	ssettm $0x1  }
0x92: {  	s4 =	sld [smem:$0x3FFB];
	_ =	sdelay $0x3  }
0x93: {  	_ =	strace s4  }
0x94: {  	s4 =	sld [smem:$0x3FFC];
	_ =	sdelay $0x3  }
0x95: {  	_ =	strace s4  }
0x96: {  	s4 =	sld [smem:$0x3FFD];
	_ =	sdelay $0x3  }
0x97: {  	_ =	strace s4  }
0x98: {  	_ =	strace $0x8FFFFFFF  }
0x99: {  	s20 =	sld [smem:$0x3FDB];
	_ =	sdelay $0x1  }
0x9a: {  	s5 =	simm.s32 $_scs_section_size  }
0x9b: {  	s6 =	simm.s32 $_size__tile_overlayer_lowered;
	s7 =	simm.s32 $_tile_overlayer_lowered  }
0x9c: {  	s23 =	simm.s32 $0x1BFF;
	s22 =	sshll.u32 s7, $0x1;
	s4 =	sadd.s32 s5, s20  }
0x9d: {  	s8 =	simm.s32 $0x0;
	s21 =	sshll.u32 s6, $0x1;
	s6 =	sadd.s32 s22, s4  }
0x9e: {  	[timem:s8], [sflag:s23] =	dma.local [hbm:s6], s21  }
0x9f: {  	_ =	swait.ge [sflag:s23], s21  }
0xa0: {  	s5 =	ssub.s32 $0x0, s21;
	[sflag:s23] =	ssyncset.done $0x0  }
0xa1: {  	[sflag:s23] =	ssyncadd.s32 s5;
	_ =	sdelay $0x1  }
0xa2: {  	s24 =	simm.s32 $0x1B8B  }
0xa3: {  	_ =	swait.ge [sflag:s24], $0x1  }
0xa4: {  	[sflag:s24] =	ssyncset.done $0x0  }
0xa5: {  	s25 =	simm.s32 $0x1B8E;
	[sflag:s24] =	ssyncadd.s32 $0xFFFFFFFF  }
0xa6: {  	s26 =	simm.s32 $execute0_lowered;
	[smem:$0x3FD2] =	sst s25  }
0xa7: {  	s5 =	sshll.u32 s26, $0x1;
	_ =	strace $0x80000046;
	[dreg:$0x1] =	wrdreg $0xFFFFFFFF  }
0xa8: {  	s28 =	simm.s32 $_size_execute0_lowered;
	s4 =	sadd.s32 s4, s5;
	[dreg:$0x0] =	wrdreg $0x0  }
0xa9: {  	s5 =	sshll.u32 s28, $0x1;
	[dreg:$0x2] =	wrdreg s4  }
0xaa: {  	[dreg:$0x3] =	wrdreg s5  }
0xab: {  	[dreg:$0x4] =	wrdreg $0xC0  }
0xac: {  	_ =	task [dreg:s8], $0x5FFFF  }
0xad: {  	[dreg:$0x1] =	wrdreg $0xFFFFFFFF  }
0xae: {  	[dreg:$0x0] =	wrdreg $0x60  }
0xaf: {  	[dreg:$0x2] =	wrdreg s2  }
0xb0: {  	[dreg:$0x3] =	wrdreg s19  }
0xb1: {  	[dreg:$0x4] =	wrdreg $0x9  }
0xb2: {  	_ =	task.clear_ibuf [dreg:s8], $0x5FFFF;
	_ =	strace $0x90000046  }
0xb3: {  	s29 =	simm.s32 $0x9;
	_ =	strace $0x80000048  }
0xb4: {  	_ =	swait.ge [sflag:s29], $0x1  }
0xb5: {  	[sflag:s29] =	ssyncadd.s32 $0xFFFFFFFF  }
0xb6: {  	_ =	strace $0x90000048  }
0xb7: {  	_ =	sfence  }
0xb8: {  	s30 =	sld [smem:$0x0];
	_ =	sdelay $0x2  }
0xb9: {  	s31 =	sshll.u32 s1, $0xD;
	s1 =	sshrl.u32 s1, $0x2  }
0xba: {  	s3 =	sand.u32 $0x4000, s31;
	s1 =	sadd.s32 s1, s30  }
0xbb: {  	s0 =	sor.u32 s3, s0;
	s1 =	sshll.u32 s1, $0x11  }
0xbc: {  	s0 =	sor.u32 s1, s0  }
0xbd: {  	s0 =	sadd.s32 $0x8F2B, s0  }
0xbe: {  	[sflag:s0] =	ssyncadd.remote.s32 $0x1  }
0xbf: {  	_ =	sfence.sel $0xFFFF  }
0xc0: {  	[dreg:$0x0] =	wrdreg $0xFFFFFFFF;
	(pc) =	sbr.abs _section_cstart, $3  }
0xc1: {  	[dreg:$0x1] =	wrdreg $0xFFFFFFFF  }
0xc2: {  	_ =	task.clear_ibuf [dreg:s8], $0x2FFFF;
	_ =	strace $0x9FFFFFFF  }
0xc3: {  	(tm) =	ssettm $0x7FFFFFFF  }
tec
execute0_lowered:
.L_overlay_start_1:
0x0: {  	(tag) =	ssettag $0x1  }
0x1: {  	s4 =	rddreg [dreg:$0x0]  }
0x2: {  	s5 =	rddreg [dreg:$0x1]  }
0x3: {  	s2 =	srdreg.scid;
	s1 =	stileid.u32  }
0x4: {  	s0 =	rddreg [dreg:$0x2];
	s10 =	simm.s32 $0x0;
	s3 =	sand.u32 $0x1, s2  }
0x5: {  	s6 =	sshll.u32 s1, $0x1;
	s2 =	simm.s32 $0x0;
	s7 =	ssub.s32 $0x2, s3  }
0x6: {  	s8 =	sor.u32 s3, s6;
	[smem:$0x7FF] =	sst s2;
	s31 =	sshrl.u32 s7, $0x1  }
0x7: {  	s6 =	smul.u32 $0x188, s8;
	_ =	strace $0x80000047;
	s9 =	sshll.u32 s8, $0x3  }
0x8: {  	p0 =	seq.s32 s8, $0x1F;
	s8 =	simm.s32 $0x1480;
	s7 =	ssub.s32 s7, s31  }
0x9: {  	v1 =	vlaneseq.u32;
	s5 =	sadd.s32 s5, s9;
	s9 =	simm.s32 $0x1;
	s3 =	sadd.s32 s4, s6  }
0xa: {  	v0 =	vimm.f32 $0.0e+00;
	v2 =	vimm.f32 $1.000000000e+00;
	v1 =	vmul.u32 $0x80, v1;
	s4 =	sadd.s32 $0x2F78, s4;
	s6 =	smax.u32 s7, $0x1;
	s7 =	simm.s32 $0xC80  }
.LBB2_1:
0xb: {  	s11 =	simm.s32 @p0 $0x0  }
0xc: {  	[tilespmem:s11], [sflag:$0x1] =	stream.linear.gather @p0 [hbm4b:s4+s11], $0xAE0, $0x38;
	[tilespmem:$0x1500] =	vst v63  }
0xd: {  	s11 =	simm.s32 @p0 $0x1  }
0xe: {  	_ =	swait.ge @p0 [sflag:s11], $0xAE0  }
0xf: {  	[sflag:s11] =	ssyncset.done @p0 $0x0  }
0x10: {  	v3 =	vimm.s32 @p0 $0x40;
	[sflag:s11] =	ssyncadd.s32 @p0 $0xFFFFF520  }
0x11: {  	[tilespmem:$0xAE0] =	vst @p0 v3  }
0x12: {  	[tilespmem:$0xAF0] =	vst @p0 v3  }
0x13: {  	[tilespmem:$0xB00] =	vst @p0 v3  }
0x14: {  	[tilespmem:$0xB10] =	vst @p0 v3  }
0x15: {  	[tilespmem:$0xB20] =	vst @p0 v3  }
0x16: {  	[tilespmem:$0xB30] =	vst @p0 v3  }
0x17: {  	[tilespmem:$0xB40] =	vst @p0 v3  }
0x18: {  	[tilespmem:$0xB50] =	vst @p0 v3  }
0x19: {  	[tilespmem:$0xB60] =	vst @p0 v3  }
0x1a: {  	[tilespmem:$0xB70] =	vst @p0 v3  }
0x1b: {  	[tilespmem:$0xB80] =	vst @p0 v3  }
0x1c: {  	[tilespmem:$0xB90] =	vst @p0 v3  }
0x1d: {  	[tilespmem:$0xBA0] =	vst @p0 v3  }
0x1e: {  	[tilespmem:$0xBB0] =	vst @p0 v3  }
0x1f: {  	[tilespmem:$0xBC0] =	vst @p0 v3  }
0x20: {  	[tilespmem:$0xBD0] =	vst @p0 v3  }
0x21: {  	[tilespmem:$0xBE0] =	vst @p0 v3  }
0x22: {  	[tilespmem:$0xBF0] =	vst @p0 v3  }
0x23: {  	[tilespmem:$0xC00] =	vst @p0 v3  }
0x24: {  	[tilespmem:$0xC10] =	vst @p0 v3  }
0x25: {  	[tilespmem:$0xC20] =	vst @p0 v3  }
0x26: {  	s11 =	simm.s32 @!p0 $0x0;
	[tilespmem:$0xC30] =	vst @p0 v3  }
0x27: {  	[tilespmem:s11], [sflag:$0x1] =	stream.linear.gather @!p0 [hbm4b:s3+s11], $0xC40, $0x38;
	[tilespmem:$0x1500] =	vst v63  }
0x28: {  	s11 =	simm.s32 @!p0 $0x1  }
0x29: {  	_ =	swait.ge @!p0 [sflag:s11], $0xC40  }
0x2a: {  	[sflag:s11] =	ssyncset.done @!p0 $0x0  }
0x2b: {  	[sflag:s11] =	ssyncadd.s32 @!p0 $0xFFFFF3C0  }
0x2c: {  	[tilespmem:$0xC80] =	vst v0  }
0x2d: {  	[tilespmem:$0xC90] =	vst v0  }
0x2e: {  	[tilespmem:$0xCA0] =	vst v0  }
0x2f: {  	[tilespmem:$0xCB0] =	vst v0  }
0x30: {  	[tilespmem:$0xCC0] =	vst v0  }
0x31: {  	[tilespmem:$0xD00] =	vst v0  }
0x32: {  	[tilespmem:$0xD10] =	vst v0  }
0x33: {  	[tilespmem:$0xD20] =	vst v0  }
0x34: {  	[tilespmem:$0xD30] =	vst v0  }
0x35: {  	[tilespmem:$0xD40] =	vst v0  }
0x36: {  	[tilespmem:$0xD80] =	vst v0  }
0x37: {  	[tilespmem:$0xD90] =	vst v0  }
0x38: {  	[tilespmem:$0xDA0] =	vst v0  }
0x39: {  	[tilespmem:$0xDB0] =	vst v0  }
0x3a: {  	[tilespmem:$0xDC0] =	vst v0  }
0x3b: {  	[tilespmem:$0xE00] =	vst v0  }
0x3c: {  	[tilespmem:$0xE10] =	vst v0  }
0x3d: {  	[tilespmem:$0xE20] =	vst v0  }
0x3e: {  	[tilespmem:$0xE30] =	vst v0  }
0x3f: {  	[tilespmem:$0xE40] =	vst v0  }
0x40: {  	[tilespmem:$0xE80] =	vst v0  }
0x41: {  	[tilespmem:$0xE90] =	vst v0  }
0x42: {  	[tilespmem:$0xEA0] =	vst v0  }
0x43: {  	[tilespmem:$0xEB0] =	vst v0  }
0x44: {  	[tilespmem:$0xEC0] =	vst v0  }
0x45: {  	[tilespmem:$0xF00] =	vst v0  }
0x46: {  	[tilespmem:$0xF10] =	vst v0  }
0x47: {  	[tilespmem:$0xF20] =	vst v0  }
0x48: {  	[tilespmem:$0xF30] =	vst v0  }
0x49: {  	[tilespmem:$0xF40] =	vst v0  }
0x4a: {  	[tilespmem:$0xF80] =	vst v0  }
0x4b: {  	[tilespmem:$0xF90] =	vst v0  }
0x4c: {  	[tilespmem:$0xFA0] =	vst v0  }
0x4d: {  	[tilespmem:$0xFB0] =	vst v0  }
0x4e: {  	[tilespmem:$0xFC0] =	vst v0  }
0x4f: {  	[tilespmem:$0x1000] =	vst v0  }
0x50: {  	[tilespmem:$0x1010] =	vst v0  }
0x51: {  	[tilespmem:$0x1020] =	vst v0  }
0x52: {  	[tilespmem:$0x1030] =	vst v0  }
0x53: {  	[tilespmem:$0x1040] =	vst v0  }
0x54: {  	[tilespmem:$0x1080] =	vst v0  }
0x55: {  	[tilespmem:$0x1090] =	vst v0  }
0x56: {  	[tilespmem:$0x10A0] =	vst v0  }
0x57: {  	[tilespmem:$0x10B0] =	vst v0  }
0x58: {  	[tilespmem:$0x10C0] =	vst v0  }
0x59: {  	[tilespmem:$0x1100] =	vst v0  }
0x5a: {  	[tilespmem:$0x1110] =	vst v0  }
0x5b: {  	[tilespmem:$0x1120] =	vst v0  }
0x5c: {  	[tilespmem:$0x1130] =	vst v0  }
0x5d: {  	[tilespmem:$0x1140] =	vst v0  }
0x5e: {  	[tilespmem:$0x1180] =	vst v0  }
0x5f: {  	[tilespmem:$0x1190] =	vst v0  }
0x60: {  	[tilespmem:$0x11A0] =	vst v0  }
0x61: {  	[tilespmem:$0x11B0] =	vst v0  }
0x62: {  	[tilespmem:$0x11C0] =	vst v0  }
0x63: {  	[tilespmem:$0x1200] =	vst v0  }
0x64: {  	[tilespmem:$0x1210] =	vst v0  }
0x65: {  	[tilespmem:$0x1220] =	vst v0  }
0x66: {  	[tilespmem:$0x1230] =	vst v0  }
0x67: {  	[tilespmem:$0x1240] =	vst v0  }
0x68: {  	[tilespmem:$0x1280] =	vst v0  }
0x69: {  	[tilespmem:$0x1290] =	vst v0  }
0x6a: {  	[tilespmem:$0x12A0] =	vst v0  }
0x6b: {  	[tilespmem:$0x12B0] =	vst v0  }
0x6c: {  	[tilespmem:$0x12C0] =	vst v0  }
0x6d: {  	[tilespmem:$0x1300] =	vst v0  }
0x6e: {  	[tilespmem:$0x1310] =	vst v0  }
0x6f: {  	[tilespmem:$0x1320] =	vst v0  }
0x70: {  	[tilespmem:$0x1330] =	vst v0  }
0x71: {  	[tilespmem:$0x1340] =	vst v0  }
0x72: {  	[tilespmem:$0x1380] =	vst v0  }
0x73: {  	[tilespmem:$0x1390] =	vst v0  }
0x74: {  	[tilespmem:$0x13A0] =	vst v0  }
0x75: {  	[tilespmem:$0x13B0] =	vst v0  }
0x76: {  	[tilespmem:$0x13C0] =	vst v0  }
0x77: {  	[tilespmem:$0x1400] =	vst v0  }
0x78: {  	[tilespmem:$0x1410] =	vst v0  }
0x79: {  	[tilespmem:$0x1420] =	vst v0  }
0x7a: {  	[tilespmem:$0x1430] =	vst v0  }
0x7b: {  	s11 =	simm.s32 $0x0;
	[tilespmem:$0x1440] =	vst v0  }
.LBB2_2:
0x7c: {  	s12 =	sshra.s32 s11, $0x2  }
0x7d: {  	v3 =	vld [tilespmem:s12+$0x0];
	_ =	sdelay $0x4  }
0x7e: {  	v3 =	vadd.s32 v1, v3;
	_ =	sdelay $0x4  }
0x7f: {  	[tilespmem:v3+s7+$0x0] =	vst.idx.add.f32.msk $0xffff, v2  }
0x80: {  	v3 =	vld [tilespmem:s12+$0x10];
	_ =	sdelay $0x4  }
0x81: {  	v3 =	vadd.s32 v1, v3;
	_ =	sdelay $0x4  }
0x82: {  	[tilespmem:v3+s7+$0x0] =	vst.idx.add.f32.msk $0xffff, v2  }
0x83: {  	v3 =	vld [tilespmem:s12+$0x20];
	_ =	sdelay $0x4  }
0x84: {  	v3 =	vadd.s32 v1, v3;
	_ =	sdelay $0x4  }
0x85: {  	[tilespmem:v3+s7+$0x0] =	vst.idx.add.f32.msk $0xffff, v2  }
0x86: {  	v3 =	vld [tilespmem:s12+$0x30];
	_ =	sdelay $0x4  }
0x87: {  	p1 =	sne.s32 s11, $0x3000;
	v3 =	vadd.s32 v1, v3  }
.Ltmp0:
0x88: {  	_ = 	snop;
	(pc) =	sbr.rel @p1 .LBB2_2-.Ltmp0, $2  }
0x89: {  	_ =	sdelay $0x2  }
0x8a: {  	s11 =	sadd.s32 $0x100, s11;
	[tilespmem:v3+s7+$0x0] =	vst.idx.add.f32.msk $0xffff, v2  }
0x8b: {  	v3 =	vld [tilespmem:$0xC80]  }
0x8c: {  	v4 =	vld [tilespmem:$0xD00]  }
0x8d: {  	v5 =	vld [tilespmem:$0xD80]  }
0x8e: {  	v6 =	vld [tilespmem:$0xE00]  }
0x8f: {  	v7 =	vld [tilespmem:$0xE80]  }
0x90: {  	v8 =	vld [tilespmem:$0xF00]  }
0x91: {  	v9 =	vld [tilespmem:$0xF80]  }
0x92: {  	v10 =	vld [tilespmem:$0x1000]  }
0x93: {  	v11 =	vld [tilespmem:$0x1080]  }
0x94: {  	v12 =	vld [tilespmem:$0x1100]  }
0x95: {  	v13 =	vld [tilespmem:$0x1180]  }
0x96: {  	v14 =	vld [tilespmem:$0x1200]  }
0x97: {  	v15 =	vld [tilespmem:$0x1280]  }
0x98: {  	v16 =	vld [tilespmem:$0x1300]  }
0x99: {  	v17 =	vld [tilespmem:$0x1380]  }
0x9a: {  	v18 =	vld [tilespmem:$0x1400]  }
0x9b: {  	v19 =	vld [tilespmem:$0xC90]  }
0x9c: {  	v20 =	vld [tilespmem:$0xD10]  }
0x9d: {  	v21 =	vld [tilespmem:$0xD90]  }
0x9e: {  	v22 =	vld [tilespmem:$0xE10]  }
0x9f: {  	v23 =	vld [tilespmem:$0xE90]  }
0xa0: {  	v24 =	vld [tilespmem:$0xF10]  }
0xa1: {  	v25 =	vld [tilespmem:$0xF90]  }
0xa2: {  	v26 =	vld [tilespmem:$0x1010]  }
0xa3: {  	v27 =	vld [tilespmem:$0x1090]  }
0xa4: {  	v28 =	vld [tilespmem:$0x1110]  }
0xa5: {  	v29 =	vld [tilespmem:$0x1190]  }
0xa6: {  	v30 =	vld [tilespmem:$0x1210]  }
0xa7: {  	v31 =	vld [tilespmem:$0x1290]  }
0xa8: {  	v32 =	vld [tilespmem:$0x1310]  }
0xa9: {  	v33 =	vld [tilespmem:$0x1390]  }
0xaa: {  	v34 =	vld [tilespmem:$0x1410]  }
0xab: {  	v36 =	vld [tilespmem:$0xCB0]  }
0xac: {  	v35 =	vld [tilespmem:$0xCA0]  }
0xad: {  	v38 =	vld [tilespmem:$0xD30]  }
0xae: {  	v37 =	vld [tilespmem:$0xD20];
	v3 =	vadd.f32 $0.0e+00, v3  }
0xaf: {  	v59 =	vld [tilespmem:$0xDB0];
	v19 =	vadd.f32 $0.0e+00, v19  }
0xb0: {  	v39 =	vld [tilespmem:$0xDA0];
	v36 =	vadd.f32 $0.0e+00, v36;
	v3 =	vadd.f32 v4, v3  }
0xb1: {  	v61 =	vld [tilespmem:$0xE30];
	v58 =	vadd.f32 $0.0e+00, v35;
	v19 =	vadd.f32 v20, v19  }
0xb2: {  	v60 =	vld [tilespmem:$0xE20];
	v62 =	vadd.f32 v38, v36;
	v3 =	vadd.f32 v5, v3  }
0xb3: {  	v4 =	vadd.f32 v37, v58;
	v38 =	vld [tilespmem:$0xEB0];
	v19 =	vadd.f32 v21, v19  }
0xb4: {  	v63 =	vld [tilespmem:$0xEA0];
	v21 =	vadd.f32 v59, v62;
	v3 =	vadd.f32 v6, v3  }
0xb5: {  	v40 =	vld [tilespmem:$0xF30];
	v4 =	vadd.f32 v39, v4;
	v19 =	vadd.f32 v22, v19  }
0xb6: {  	v39 =	vld [tilespmem:$0xF20];
	v5 =	vadd.f32 v61, v21;
	v3 =	vadd.f32 v7, v3  }
0xb7: {  	v42 =	vld [tilespmem:$0xFB0];
	v4 =	vadd.f32 v60, v4;
	v19 =	vadd.f32 v23, v19  }
0xb8: {  	v41 =	vld [tilespmem:$0xFA0];
	v5 =	vadd.f32 v38, v5;
	v3 =	vadd.f32 v8, v3  }
0xb9: {  	v44 =	vld [tilespmem:$0x1030];
	v4 =	vadd.f32 v63, v4;
	v19 =	vadd.f32 v24, v19  }
0xba: {  	v43 =	vld [tilespmem:$0x1020];
	v5 =	vadd.f32 v40, v5;
	v3 =	vadd.f32 v9, v3  }
0xbb: {  	v46 =	vld [tilespmem:$0x10B0];
	v4 =	vadd.f32 v39, v4;
	v19 =	vadd.f32 v25, v19  }
0xbc: {  	v45 =	vld [tilespmem:$0x10A0];
	v5 =	vadd.f32 v42, v5;
	v3 =	vadd.f32 v10, v3  }
0xbd: {  	v48 =	vld [tilespmem:$0x1130];
	v4 =	vadd.f32 v41, v4;
	v19 =	vadd.f32 v26, v19  }
0xbe: {  	v47 =	vld [tilespmem:$0x1120];
	v5 =	vadd.f32 v44, v5;
	v3 =	vadd.f32 v11, v3  }
0xbf: {  	v51 =	vld [tilespmem:$0x11B0];
	v4 =	vadd.f32 v43, v4;
	v49 =	vadd.f32 v27, v19  }
0xc0: {  	v50 =	vld [tilespmem:$0x11A0];
	v5 =	vadd.f32 v46, v5;
	v3 =	vadd.f32 v12, v3  }
0xc1: {  	v53 =	vld [tilespmem:$0x1230];
	v4 =	vadd.f32 v45, v4;
	v11 =	vadd.f32 v28, v49  }
0xc2: {  	v52 =	vld [tilespmem:$0x1220];
	v5 =	vadd.f32 v48, v5;
	v3 =	vadd.f32 v13, v3  }
0xc3: {  	v55 =	vld [tilespmem:$0x12B0];
	v4 =	vadd.f32 v47, v4;
	v11 =	vadd.f32 v29, v11  }
0xc4: {  	v54 =	vld [tilespmem:$0x12A0];
	v5 =	vadd.f32 v51, v5;
	v3 =	vadd.f32 v14, v3  }
0xc5: {  	v57 =	vld [tilespmem:$0x1330];
	v4 =	vadd.f32 v50, v4;
	v11 =	vadd.f32 v30, v11  }
0xc6: {  	v56 =	vld [tilespmem:$0x1320];
	v5 =	vadd.f32 v53, v5;
	v3 =	vadd.f32 v15, v3  }
0xc7: {  	v59 =	vld [tilespmem:$0x13B0];
	v4 =	vadd.f32 v52, v4;
	v11 =	vadd.f32 v31, v11  }
0xc8: {  	v58 =	vld [tilespmem:$0x13A0];
	v5 =	vadd.f32 v55, v5;
	v3 =	vadd.f32 v16, v3  }
0xc9: {  	v61 =	vld [tilespmem:$0x1430];
	v4 =	vadd.f32 v54, v4;
	v11 =	vadd.f32 v32, v11  }
0xca: {  	v60 =	vld [tilespmem:$0x1420];
	v5 =	vadd.f32 v57, v5;
	v3 =	vadd.f32 v17, v3  }
0xcb: {  	v4 =	vadd.f32 v56, v4;
	v11 =	vadd.f32 v33, v11  }
0xcc: {  	v5 =	vadd.f32 v59, v5;
	v3 =	vadd.f32 v18, v3  }
0xcd: {  	v4 =	vadd.f32 v58, v4;
	v62 =	vadd.f32 v34, v11  }
0xce: {  	v63 =	vadd.f32 v61, v5;
	[tilespmem:$0x1480] =	vst v3  }
0xcf: {  	s10 =	sadd.s32 $0x1, s10;
	v3 =	vadd.f32 v60, v4;
	[tilespmem:$0x1490] =	vst v62  }
0xd0: {  	p1 =	sne.s32 s10, s6;
	[tilespmem:$0x14B0] =	vst v63  }
.Ltmp1:
0xd1: {  	[tilespmem:$0x14A0] =	vst v3;
	(pc) =	sbr.rel @p1 .LBB2_1-.Ltmp1, $4  }
0xd2: {  	[hbm4b:s5+s2] =	stream.linear.scatter [tilespmem:s8], [sflag:$0x1], $0x40, $0x38;
	[tilespmem:$0x1500] =	vst v63  }
0xd3: {  	_ =	swait.ge [sflag:s9], $0x40  }
0xd4: {  	[sflag:s9] =	ssyncset.done $0x0  }
0xd5: {  	[sflag:s9] =	ssyncadd.s32 $0xFFFFFFC0  }
0xd6: {  	_ =	sfence.sel $0x180000  }
0xd7: {  	[bflag:$0x0] =	sbarrier.arrive $0xFFFF  }
0xd8: {  	p0 =	sne.s32 s1, $0x0;
	_ =	strace $0x90000047  }
0xd9: {  	s0 =	sadd.s32 @!p0 $0x100000, s0;
	[bflag:$0x2] =	sbarrier.arrive $0xFFFF  }
0xda: {  	[sflag:s0] =	ssyncadd.tile.s32 @!p0 $0x1;
	_ =	shalt  }
.Lfunc_end2:
_tile_overlayer_lowered:
.L_overlay_start_2:
0xdb: {  	(tag) =	ssettag $0x2  }
0xdc: {  	s0 =	rddreg [dreg:$0x0];
	s2 =	stileid.u32  }
0xdd: {  	s1 =	rddreg [dreg:$0x1];
	p0 =	sne.s32 s2, $0x0  }
0xde: {  	s3 =	rddreg [dreg:$0x2];
	[bflag:$0x3] =	sbarrier.arrive $0xFFFF;
	s2 =	simm.s32 @!p0 $0x1C01  }
0xdf: {  	[timem:s3], [sflag:s2] =	dma.local @!p0 [hbm:s0], s1  }
0xe0: {  	s0 =	simm.s32 @!p0 $0x1  }
0xe1: {  	_ =	swait.ge @!p0 [sflag:s0], s1  }
0xe2: {  	s1 =	ssub.s32 @!p0 $0x0, s1;
	[sflag:s0] =	ssyncset.done @!p0 $0x0  }
0xe3: {  	[sflag:s0] =	ssyncadd.s32 @!p0 s1  }
0xe4: {  	[bflag:$0x3] =	sbarrier.arrive $0xFFFF  }
0xe5: {  	_ =	shalt  }

</sc_bundles>
